<compile_context>
chip_gen: v7x
topology: tpu7x:2x2x1
jax: 0.10.2.dev20260603
libtpu: 0.0.44.dev20260713+nightly
codegen_flags: <defaults>
</compile_context>

<pallas_src>
import functools
import math

import jax
import jax.numpy as jnp
from jax import lax
from jax.experimental import pallas as pl
from jax.experimental.pallas import tpu as pltpu
from jax.experimental.pallas import tpu_sc as plsc

N_NODES = 100000
N_EDGES = 400000
D = 172
K = 20
B = 4096
DH = 86

EB = 64
RB = EB * K
NBLK = B // EB

_TWO_PI_PARTS = (6.25, 0.0322265625, 0.000946044921875,
                 1.2636184692382812e-05, 6.357301884918343e-08)
_INV_TWO_PI = 0.15915494309189535
_COS_COEFS = (0.9999999890590231, -0.4999998910107081, 0.04166648921738474,
              -0.0013887803598090663, 2.476988355771912e-05,
              -2.707903082238126e-07, 1.7245091749739126e-09)


def _fast_cos(x):
    k = jnp.round(x * _INV_TWO_PI)
    r = x
    for c in _TWO_PI_PARTS:
        r = r - k * jnp.float32(c)
    t = r * r
    acc = jnp.full_like(t, _COS_COEFS[-1])
    for c in _COS_COEFS[-2::-1]:
        acc = acc * t + jnp.float32(c)
    return acc


DP = 256


def _tr(x_t):
    return jnp.transpose(x_t, (1, 0))


def _add_pad_body(a_ref, b_ref, o_ref):
    s = _tr(a_ref[...] + b_ref[...])
    o_ref[...] = jnp.concatenate(
        [s, jnp.zeros((s.shape[0], DP - D), jnp.float32)], axis=1)


def _pad_body(a_ref, o_ref):
    a = _tr(a_ref[...])
    o_ref[...] = jnp.concatenate(
        [a, jnp.zeros((a.shape[0], DP - D), jnp.float32)], axis=1)


def _state_table(memory_t, node_raw_t):
    blk = 4096
    return pl.pallas_call(
        _add_pad_body,
        grid=(-(-N_NODES // blk),),
        in_specs=[
            pl.BlockSpec((D, blk), lambda i: (0, i)),
            pl.BlockSpec((D, blk), lambda i: (0, i)),
        ],
        out_specs=pl.BlockSpec((blk, DP), lambda i: (i, 0)),
        out_shape=jax.ShapeDtypeStruct((N_NODES, DP), jnp.float32),
    )(memory_t, node_raw_t)


def _edge_table(edge_raw_t):
    blk = 8192
    return pl.pallas_call(
        _pad_body,
        grid=(-(-N_EDGES // blk),),
        in_specs=[pl.BlockSpec((D, blk), lambda i: (0, i))],
        out_specs=pl.BlockSpec((blk, DP), lambda i: (i, 0)),
        out_shape=jax.ShapeDtypeStruct((N_EDGES, DP), jnp.float32),
    )(edge_raw_t)


NC_SC = 2
NS_SC = 16
NW = NC_SC * NS_SC
CH = 128
NBR_ROWS = 2 * B * K
NBR_PER_W = NBR_ROWS // NW
SRC_PER_W = (2 * B) // NW


def _node_gather_body(state_hbm, nbrids_hbm, nodes_hbm, nbr_out, src_out,
                      idx_a, idx_b, buf_a, buf_b, sem_a, sem_b, sem_oa, sem_ob):
    wid = lax.axis_index("s") * NC_SC + lax.axis_index("c")
    nbase = wid * NBR_PER_W

    def fire(base, idx, buf, sem):
        pltpu.sync_copy(nbrids_hbm.at[pl.ds(base, CH)], idx)
        c = pltpu.make_async_copy(state_hbm.at[idx], buf, sem)
        c.start()
        return c

    def pair(i, carry):
        base = nbase + 2 * i * CH
        ca = fire(base, idx_a, buf_a, sem_a)
        cb = fire(base + CH, idx_b, buf_b, sem_b)
        ca.wait()
        oa = pltpu.make_async_copy(buf_a, nbr_out.at[pl.ds(base, CH)], sem_oa)
        oa.start()
        cb.wait()
        ob = pltpu.make_async_copy(buf_b, nbr_out.at[pl.ds(base + CH, CH)],
                                   sem_ob)
        ob.start()
        oa.wait()
        ob.wait()
        return carry

    lax.fori_loop(0, (NBR_PER_W // CH) // 2, pair, 0)

    sbase = wid * SRC_PER_W

    def chunk2(i, carry):
        base = sbase + i * CH
        pltpu.sync_copy(nodes_hbm.at[pl.ds(base, CH)], idx_a)
        ca = pltpu.make_async_copy(state_hbm.at[idx_a], buf_a, sem_a)
        ca.start()
        ca.wait()
        pltpu.sync_copy(buf_a, src_out.at[pl.ds(base, CH)])
        return carry

    lax.fori_loop(0, SRC_PER_W // CH, chunk2, 0)


def _edge_gather_body(edge_hbm, edgeids_hbm, ef_out,
                      idx_a, idx_b, buf_a, buf_b, sem_a, sem_b, sem_oa, sem_ob):
    wid = lax.axis_index("s") * NC_SC + lax.axis_index("c")
    nbase = wid * NBR_PER_W

    def fire(base, idx, buf, sem):
        pltpu.sync_copy(edgeids_hbm.at[pl.ds(base, CH)], idx)
        c = pltpu.make_async_copy(edge_hbm.at[idx], buf, sem)
        c.start()
        return c

    def pair(i, carry):
        base = nbase + 2 * i * CH
        ca = fire(base, idx_a, buf_a, sem_a)
        cb = fire(base + CH, idx_b, buf_b, sem_b)
        ca.wait()
        oa = pltpu.make_async_copy(buf_a, ef_out.at[pl.ds(base, CH)], sem_oa)
        oa.start()
        cb.wait()
        ob = pltpu.make_async_copy(buf_b, ef_out.at[pl.ds(base + CH, CH)],
                                   sem_ob)
        ob.start()
        oa.wait()
        ob.wait()
        return carry

    lax.fori_loop(0, (NBR_PER_W // CH) // 2, pair, 0)


_SC_SCRATCH = [
    pltpu.VMEM((CH,), jnp.int32),
    pltpu.VMEM((CH,), jnp.int32),
    pltpu.VMEM((CH, DP), jnp.float32),
    pltpu.VMEM((CH, DP), jnp.float32),
    pltpu.SemaphoreType.DMA,
    pltpu.SemaphoreType.DMA,
    pltpu.SemaphoreType.DMA,
    pltpu.SemaphoreType.DMA,
]


def _sc_gather_nodes(state, nbr_ids, nodes):
    mesh = plsc.VectorSubcoreMesh(core_axis_name="c", subcore_axis_name="s")
    f = functools.partial(
        pl.kernel, mesh=mesh,
        out_type=[
            jax.ShapeDtypeStruct((NBR_ROWS, DP), jnp.float32),
            jax.ShapeDtypeStruct((2 * B, DP), jnp.float32),
        ],
        scratch_types=list(_SC_SCRATCH),
    )(_node_gather_body)
    return f(state, nbr_ids, nodes)


def _sc_gather_edges(edge_table, edge_ids):
    mesh = plsc.VectorSubcoreMesh(core_axis_name="c", subcore_axis_name="s")
    f = functools.partial(
        pl.kernel, mesh=mesh,
        out_type=jax.ShapeDtypeStruct((NBR_ROWS, DP), jnp.float32),
        scratch_types=list(_SC_SCRATCH),
    )(_edge_gather_body)
    return f(edge_table, edge_ids)


def _fused_body(et_ref, ts_s_ref, ts_d_ref, src_s_ref, src_d_ref,
                nbr_s_ref, nbr_d_ref, ef_s_ref, ef_d_ref,
                tw_ref, tb_ref,
                wqn_ref, wqt_ref, wkn_ref, wke_ref, wkt_ref,
                wvn_ref, wve_ref, wvt_ref,
                wm1o_ref, wm1s_ref, bm1_ref, wm2_ref, bm2_ref,
                wa1s_ref, wa1d_ref, ba1_ref, wa2_ref, ba2_ref,
                out_ref):
    f32 = jnp.float32
    lane = jax.lax.broadcasted_iota(jnp.int32, (1, D), 1)
    m0 = (lane < DH).astype(f32)
    m1 = 1.0 - m0
    scale = 1.0 / math.sqrt(DH)
    r_io = jax.lax.broadcasted_iota(jnp.int32, (RB, EB), 0)
    c_io = jax.lax.broadcasted_iota(jnp.int32, (RB, EB), 1)
    pf = ((r_io // K) == c_io).astype(f32)
    pneg = (pf - 1.0) * jnp.float32(1e30)
    rk_io = jax.lax.broadcasted_iota(jnp.int32, (RB, K), 0)
    ck_io = jax.lax.broadcasted_iota(jnp.int32, (RB, K), 1)
    bsel = ((rk_io % K) == ck_io).astype(f32)

    q_time = _fast_cos(tb_ref[...])
    qt = jnp.dot(q_time, wqt_ref[...], preferred_element_type=f32)

    def mm(a, b):
        return jnp.dot(a, b, preferred_element_type=f32)

    def mmT(a, b):
        return jax.lax.dot_general(a, b, (((0,), (0,)), ((), ())),
                                   preferred_element_type=f32)

    def half(src_ref, nbr_ref, ef_ref, ts_ref):
        src = src_ref[...]
        q = mm(src, wqn_ref[...]) + qt
        dtm = et_ref[...] - ts_ref[...]
        m1t = jnp.dot(pf, dtm, preferred_element_type=f32,
                      precision=jax.lax.Precision.HIGHEST)
        dt = jnp.sum(m1t * bsel, axis=1, keepdims=True)
        ktime = _fast_cos(dt * tw_ref[...] + tb_ref[...])
        bf = jnp.bfloat16
        ktime_b = ktime.astype(bf)
        nbr = nbr_ref[...].astype(bf)
        ef = ef_ref[...].astype(bf)
        kk = (mm(nbr, wkn_ref[...]) + mm(ef, wke_ref[...])
              + mm(ktime_b, wkt_ref[...]))
        vv = (mm(nbr, wvn_ref[...]) + mm(ef, wve_ref[...])
              + mm(ktime_b, wvt_ref[...]))

        def attend(mh):
            g = jax.lax.dot_general(kk, q * (mh * scale),
                                    (((1,), (1,)), ((), ())),
                                    preferred_element_type=f32)
            g = g + pneg
            cmax = jnp.max(g, axis=0, keepdims=True)
            e = jnp.exp(g - cmax)
            inv = 1.0 / jnp.sum(e, axis=0, keepdims=True)
            attn = e * inv
            return mmT(attn, vv) * mh

        out = attend(m0) + attend(m1)
        h1 = jax.nn.relu(mm(out, wm1o_ref[...]) + mm(src, wm1s_ref[...])
                         + bm1_ref[...])
        return mm(h1, wm2_ref[...]) + bm2_ref[...]

    emb_s = half(src_s_ref, nbr_s_ref, ef_s_ref, ts_s_ref)
    emb_d = half(src_d_ref, nbr_d_ref, ef_d_ref, ts_d_ref)
    a = jax.nn.relu(mm(emb_s, wa1s_ref[...]) + mm(emb_d, wa1d_ref[...])
                    + ba1_ref[...])
    score = mm(a, wa2_ref[...]) + ba2_ref[...]
    out_ref[...] = jax.nn.sigmoid(score)


def _fused_attention(et2, nbr_times, src_state, nbr_state, e_feat,
                     time_w2, time_b2, wqn, wqt, wkn, wke, wkt,
                     wvn, wve, wvt, wm1o, wm1s, bm12, wm2, bm22,
                     wa1s, wa1d, ba12, wa2, ba22):
    full = lambda shape: pl.BlockSpec(shape, lambda i: tuple(0 for _ in shape))
    src_spec = lambda blk: pl.BlockSpec(blk, lambda i: (i, 0))
    dst_spec = lambda blk: pl.BlockSpec(blk, lambda i: (i + NBLK, 0))
    in_specs = [
        src_spec((EB, 1)),
        src_spec((EB, K)), dst_spec((EB, K)),
        src_spec((EB, DP)), dst_spec((EB, DP)),
        src_spec((RB, DP)), dst_spec((RB, DP)),
        src_spec((RB, DP)), dst_spec((RB, DP)),
        full((1, D)), full((1, D)),
        full((DP, D)), full((D, D)),
        full((DP, D)), full((DP, D)), full((D, D)),
        full((DP, D)), full((DP, D)), full((D, D)),
        full((D, D)), full((DP, D)), full((1, D)),
        full((D, D)), full((1, D)),
        full((D, D)), full((D, D)), full((1, D)),
        full((D, 1)), full((1, 1)),
    ]
    return pl.pallas_call(
        _fused_body,
        grid=(NBLK,),
        in_specs=in_specs,
        out_specs=pl.BlockSpec((EB, 1), lambda i: (i, 0)),
        out_shape=jax.ShapeDtypeStruct((B, 1), jnp.float32),
    )(et2, nbr_times, nbr_times, src_state, src_state,
      nbr_state, nbr_state, e_feat, e_feat,
      time_w2, time_b2, wqn, wqt, wkn, wke, wkt, wvn, wve, wvt,
      wm1o, wm1s, bm12, wm2, bm22, wa1s, wa1d, ba12, wa2, ba22)


def kernel(source_nodes, destination_nodes, edge_times, neighbor_node_ids,
           neighbor_edge_ids, neighbor_times, node_raw_features,
           edge_raw_features, memory, time_w, time_b,
           Wq, Wk, Wv, Wm1, bm1, Wm2, bm2, Wa1, ba1, Wa2, ba2):
    state = _state_table(memory.T, node_raw_features.T)
    edge_table = _edge_table(edge_raw_features.T)

    nodes = jnp.concatenate([source_nodes, destination_nodes], axis=0)
    nbr_ids = neighbor_node_ids.reshape(-1)
    edge_ids = neighbor_edge_ids.reshape(-1)

    nbr_state, src_state = _sc_gather_nodes(state, nbr_ids, nodes)
    e_feat = _sc_gather_edges(edge_table, edge_ids)

    rpad = lambda w: jnp.pad(w, ((0, DP - D), (0, 0)))

    score = _fused_attention(
        edge_times.reshape(B, 1), neighbor_times, src_state, nbr_state,
        e_feat,
        time_w.reshape(1, D), time_b.reshape(1, D),
        rpad(Wq[:D]), Wq[D:],
        rpad(Wk[:D]).astype(jnp.bfloat16),
        rpad(Wk[D:2 * D]).astype(jnp.bfloat16),
        Wk[2 * D:].astype(jnp.bfloat16),
        rpad(Wv[:D]).astype(jnp.bfloat16),
        rpad(Wv[D:2 * D]).astype(jnp.bfloat16),
        Wv[2 * D:].astype(jnp.bfloat16),
        Wm1[:D], rpad(Wm1[D:]), bm1.reshape(1, D), Wm2, bm2.reshape(1, D),
        Wa1[:D], Wa1[D:], ba1.reshape(1, D), Wa2, ba2.reshape(1, 1),
    )
    return score.reshape(B)

# --- scband reference (transcript-rebuilt; emitter-appended) ---
"""Pipeline reference for scband-tawrmac-75600014344285 (READ-ONLY COPY).

The authoritative reference and input builder live on the scoring server;
editing this copy changes nothing except your own understanding.
"""

import jax, jax.numpy as jnp
import numpy as np

N_NODES = 100000
N_EDGES = 400000
D = 172
TD = 172
K = 20
B = 4096
H = 2
DH = 86


def setup_inputs(seed: int = 0) -> dict:
    key = jax.random.key(seed)
    ks = jax.random.split(key, 24)
    s = 0.05
    inp = {}
    inp["source_nodes"] = jax.random.randint(ks[0], (B,), 0, N_NODES, dtype=jnp.int32)
    inp["destination_nodes"] = jax.random.randint(ks[1], (B,), 0, N_NODES, dtype=jnp.int32)
    inp["edge_times"] = jax.random.uniform(ks[2], (B,), dtype=jnp.float32) * 1e6
    inp["neighbor_node_ids"] = jax.random.randint(ks[3], (2 * B, K), 0, N_NODES, dtype=jnp.int32)
    inp["neighbor_edge_ids"] = jax.random.randint(ks[4], (2 * B, K), 0, N_EDGES, dtype=jnp.int32)
    inp["neighbor_times"] = jax.random.uniform(ks[5], (2 * B, K), dtype=jnp.float32) * 1e6
    inp["node_raw_features"] = jax.random.normal(ks[6], (N_NODES, D), dtype=jnp.float32) * s
    inp["edge_raw_features"] = jax.random.normal(ks[7], (N_EDGES, D), dtype=jnp.float32) * s
    inp["memory"] = jax.random.normal(ks[8], (N_NODES, D), dtype=jnp.float32) * s
    inp["time_w"] = jax.random.normal(ks[9], (TD,), dtype=jnp.float32) * s
    inp["time_b"] = jax.random.normal(ks[10], (TD,), dtype=jnp.float32) * s
    inp["Wq"] = jax.random.normal(ks[11], (D + TD, H * DH), dtype=jnp.float32) * s
    inp["Wk"] = jax.random.normal(ks[12], (D + D + TD, H * DH), dtype=jnp.float32) * s
    inp["Wv"] = jax.random.normal(ks[13], (D + D + TD, H * DH), dtype=jnp.float32) * s
    inp["Wm1"] = jax.random.normal(ks[14], (H * DH + D, D), dtype=jnp.float32) * s
    inp["bm1"] = jnp.zeros((D,), dtype=jnp.float32)
    inp["Wm2"] = jax.random.normal(ks[15], (D, D), dtype=jnp.float32) * s
    inp["bm2"] = jnp.zeros((D,), dtype=jnp.float32)
    inp["Wa1"] = jax.random.normal(ks[16], (2 * D, D), dtype=jnp.float32) * s
    inp["ba1"] = jnp.zeros((D,), dtype=jnp.float32)
    inp["Wa2"] = jax.random.normal(ks[17], (D, 1), dtype=jnp.float32) * s
    inp["ba2"] = jnp.zeros((1,), dtype=jnp.float32)
    return inp


def _time_encode(t, w, b):
    # TimeEncode: cos(t * w + b), functional time embedding
    return jnp.cos(t[..., None] * w + b)


def reference(source_nodes, destination_nodes, edge_times, neighbor_node_ids, neighbor_edge_ids, neighbor_times,
              node_raw_features, edge_raw_features, memory, time_w, time_b,
              Wq, Wk, Wv, Wm1, bm1, Wm2, bm2, Wa1, ba1, Wa2, ba2):
    # concat src/dst events -> 2B temporal query nodes (TAWRMAC.compute_temporal_embeddings)
    nodes = jnp.concatenate([source_nodes, destination_nodes], axis=0)
    ts = jnp.concatenate([edge_times, edge_times], axis=0)
    # memory-augmented node state (use_memory=True): memory + raw features
    src_feat = memory[nodes] + node_raw_features[nodes]
    # query: [node state | time_enc(0)]
    q_time = _time_encode(jnp.zeros_like(ts), time_w, time_b)
    q_in = jnp.concatenate([src_feat, q_time], axis=-1)
    # gather temporal neighbors: node state, edge features, time deltas
    nbr_feat = memory[neighbor_node_ids] + node_raw_features[neighbor_node_ids]
    e_feat = edge_raw_features[neighbor_edge_ids]
    dt = ts[:, None] - neighbor_times
    k_time = _time_encode(dt, time_w, time_b)
    k_in = jnp.concatenate([nbr_feat, e_feat, k_time], axis=-1)
    # multi-head temporal graph attention (GraphAttentionEmbedding, 1 layer, 2 heads)
    q = (q_in @ Wq).reshape(-1, H, DH)
    kk = (k_in @ Wk).reshape(-1, K, H, DH)
    vv = (k_in @ Wv).reshape(-1, K, H, DH)
    logits = jnp.einsum('bhd,bkhd->bhk', q, kk) / jnp.sqrt(jnp.float32(DH))
    attn = jax.nn.softmax(logits, axis=-1)
    out = jnp.einsum('bhk,bkhd->bhd', attn, vv).reshape(-1, H * DH)
    # merge layer: MLP over [attn_out | node state]
    h = jax.nn.relu(jnp.concatenate([out, src_feat], axis=-1) @ Wm1 + bm1)
    emb = h @ Wm2 + bm2
    src_emb = emb[:B]
    dst_emb = emb[B:]
    # AffinityMergeLayer -> edge probability
    a = jax.nn.relu(jnp.concatenate([src_emb, dst_emb], axis=-1) @ Wa1 + ba1)
    score = (a @ Wa2 + ba2).squeeze(-1)
    return jax.nn.sigmoid(score)

if __name__ == "__main__":
    import jax
    _d = setup_inputs()
    print(jax.jit(kernel)(*tuple(_d.values())))

</pallas_src>

<mosaic_0001>
#map = affine_map<(d0, d1) -> (0, 0)>
#map1 = affine_map<(d0, d1) -> (0)>
module attributes {stable_mosaic.version = 14 : i64} {
  func.func @_edge_gather_body(%arg0: i32, %arg1: i32, %arg2: memref<400000x256xf32, #tpu.memory_space<hbm>>, %arg3: memref<163840xi32, #tpu.memory_space<hbm>>, %arg4: memref<163840x256xf32, #tpu.memory_space<hbm>>, %arg5: memref<128xi32, #tpu.memory_space<vmem>>, %arg6: memref<128xi32, #tpu.memory_space<vmem>>, %arg7: memref<128x256xf32, #tpu.memory_space<vmem>>, %arg8: memref<128x256xf32, #tpu.memory_space<vmem>>, %arg9: memref<!tpu.dma_semaphore, #tpu.memory_space<semaphore_mem>>, %arg10: memref<!tpu.dma_semaphore, #tpu.memory_space<semaphore_mem>>, %arg11: memref<!tpu.dma_semaphore, #tpu.memory_space<semaphore_mem>>, %arg12: memref<!tpu.dma_semaphore, #tpu.memory_space<semaphore_mem>>) attributes {dimension_semantics = [#tpu.dimension_semantics<core_parallel>, #tpu.dimension_semantics<subcore_parallel>], iteration_bounds = array<i64: 2, 16>, scalar_prefetch = 0 : i64, scratch_operands = 8 : i64, tpu.core_type = #tpu.core_type<sc_vector_subcore>, window_params = [{transform_indices = #map}, {transform_indices = #map1}, {transform_indices = #map}]} {
    %mul3A = arith.constant 2 : i32
    %mul3A_0 = arith.muli %arg1, %mul3A : i32
    %add3A = arith.addi %mul3A_0, %arg0 : i32
    %mul3A_1 = arith.constant 5120 : i32
    %mul3A_2 = arith.muli %add3A, %mul3A_1 : i32
    %scan3A = arith.constant 0 : i32
    %scan3A_3 = arith.constant 0 : i32
    %scan3A_4 = arith.constant 20 : i32
    %scan3A_5 = arith.addi %scan3A_3, %scan3A_4 : i32
    %scan3A_6 = arith.constant 1 : i32
    scf.for %scan3A_8 = %scan3A_3 to %scan3A_5 step %scan3A_6  : i32 {
      %mul3A_9 = arith.constant 2 : i32
      %mul3A_10 = arith.muli %mul3A_9, %scan3A_8 : i32
      %mul3A_11 = arith.constant 128 : i32
      %mul3A_12 = arith.muli %mul3A_10, %mul3A_11 : i32
      %add3A_13 = arith.addi %mul3A_2, %mul3A_12 : i32
      "tpu.region"() ({
        %run_scoped3A = tpu.sem_alloc : memref<!tpu.dma_semaphore, #tpu.memory_space<semaphore_mem>>
        %dma_start3A_44 = tpu.memref_slice %arg3[%add3A_13] : memref<163840xi32, #tpu.memory_space<hbm>> -> memref<128xi32, #tpu.memory_space<hbm>>
        %dma_start3A_45 = tpu.memref_slice %arg3[%add3A_13] : memref<163840xi32, #tpu.memory_space<hbm>> -> memref<128xi32, #tpu.memory_space<hbm>>
        tpu.enqueue_dma source(%dma_start3A_45 : memref<128xi32, #tpu.memory_space<hbm>>) target(%arg5 : memref<128xi32, #tpu.memory_space<vmem>>) target_semaphore(%run_scoped3A : memref<!tpu.dma_semaphore, #tpu.memory_space<semaphore_mem>>)
        %dma_wait3A_46 = tpu.memref_slice %arg3[%add3A_13] : memref<163840xi32, #tpu.memory_space<hbm>> -> memref<128xi32, #tpu.memory_space<hbm>>
        %dma_wait3A_47 = tpu.memref_slice %arg3[%add3A_13] : memref<163840xi32, #tpu.memory_space<hbm>> -> memref<128xi32, #tpu.memory_space<hbm>>
        tpu.wait_dma2 semaphore(%run_scoped3A : memref<!tpu.dma_semaphore, #tpu.memory_space<semaphore_mem>>) src(%dma_wait3A_47 : memref<128xi32, #tpu.memory_space<hbm>>) dst(%arg5 : memref<128xi32, #tpu.memory_space<vmem>>)
        tpu.yield
      }) : () -> ()
      %dma_start3A = arith.constant 0 : i32
      %dma_start3A_14 = arith.constant 0 : i32
      %dma_start3A_15 = tpu.memref_slice %arg2[%dma_start3A, %dma_start3A_14] : memref<400000x256xf32, #tpu.memory_space<hbm>> -> memref<400000x256xf32, #tpu.memory_space<hbm>>
      tpu.enqueue_indirect_dma source(%dma_start3A_15 : memref<400000x256xf32, #tpu.memory_space<hbm>>) target(%arg7 : memref<128x256xf32, #tpu.memory_space<vmem>>) offsets(%arg5 : memref<128xi32, #tpu.memory_space<vmem>>) semaphore(%arg9 : memref<!tpu.dma_semaphore, #tpu.memory_space<semaphore_mem>>)
      %add3A_16 = arith.constant 128 : i32
      %add3A_17 = arith.addi %add3A_13, %add3A_16 : i32
      "tpu.region"() ({
        %run_scoped3A = tpu.sem_alloc : memref<!tpu.dma_semaphore, #tpu.memory_space<semaphore_mem>>
        %dma_start3A_44 = tpu.memref_slice %arg3[%add3A_17] : memref<163840xi32, #tpu.memory_space<hbm>> -> memref<128xi32, #tpu.memory_space<hbm>>
        %dma_start3A_45 = tpu.memref_slice %arg3[%add3A_17] : memref<163840xi32, #tpu.memory_space<hbm>> -> memref<128xi32, #tpu.memory_space<hbm>>
        tpu.enqueue_dma source(%dma_start3A_45 : memref<128xi32, #tpu.memory_space<hbm>>) target(%arg6 : memref<128xi32, #tpu.memory_space<vmem>>) target_semaphore(%run_scoped3A : memref<!tpu.dma_semaphore, #tpu.memory_space<semaphore_mem>>)
        %dma_wait3A_46 = tpu.memref_slice %arg3[%add3A_17] : memref<163840xi32, #tpu.memory_space<hbm>> -> memref<128xi32, #tpu.memory_space<hbm>>
        %dma_wait3A_47 = tpu.memref_slice %arg3[%add3A_17] : memref<163840xi32, #tpu.memory_space<hbm>> -> memref<128xi32, #tpu.memory_space<hbm>>
        tpu.wait_dma2 semaphore(%run_scoped3A : memref<!tpu.dma_semaphore, #tpu.memory_space<semaphore_mem>>) src(%dma_wait3A_47 : memref<128xi32, #tpu.memory_space<hbm>>) dst(%arg6 : memref<128xi32, #tpu.memory_space<vmem>>)
        tpu.yield
      }) : () -> ()
      %dma_start3A_18 = arith.constant 0 : i32
      %dma_start3A_19 = arith.constant 0 : i32
      %dma_start3A_20 = tpu.memref_slice %arg2[%dma_start3A_18, %dma_start3A_19] : memref<400000x256xf32, #tpu.memory_space<hbm>> -> memref<400000x256xf32, #tpu.memory_space<hbm>>
      tpu.enqueue_indirect_dma source(%dma_start3A_20 : memref<400000x256xf32, #tpu.memory_space<hbm>>) target(%arg8 : memref<128x256xf32, #tpu.memory_space<vmem>>) offsets(%arg6 : memref<128xi32, #tpu.memory_space<vmem>>) semaphore(%arg10 : memref<!tpu.dma_semaphore, #tpu.memory_space<semaphore_mem>>)
      %dma_wait3A = arith.constant 0 : i32
      %dma_wait3A_21 = arith.constant 0 : i32
      %dma_wait3A_22 = tpu.memref_slice %arg2[%dma_wait3A, %dma_wait3A_21] : memref<400000x256xf32, #tpu.memory_space<hbm>> -> memref<400000x256xf32, #tpu.memory_space<hbm>>
      tpu.wait_indirect_dma semaphore(%arg9 : memref<!tpu.dma_semaphore, #tpu.memory_space<semaphore_mem>>) src(%dma_wait3A_22 : memref<400000x256xf32, #tpu.memory_space<hbm>>) dst(%arg7 : memref<128x256xf32, #tpu.memory_space<vmem>>)
      %dma_start3A_23 = arith.constant 0 : i32
      %dma_start3A_24 = tpu.memref_slice %arg4[%add3A_13, %dma_start3A_23] : memref<163840x256xf32, #tpu.memory_space<hbm>> -> memref<128x256xf32, #tpu.memory_space<hbm>>
      %dma_start3A_25 = arith.constant 0 : i32
      %dma_start3A_26 = tpu.memref_slice %arg4[%add3A_13, %dma_start3A_25] : memref<163840x256xf32, #tpu.memory_space<hbm>> -> memref<128x256xf32, #tpu.memory_space<hbm>>
      tpu.enqueue_dma source(%arg7 : memref<128x256xf32, #tpu.memory_space<vmem>>) target(%dma_start3A_26 : memref<128x256xf32, #tpu.memory_space<hbm>>) target_semaphore(%arg11 : memref<!tpu.dma_semaphore, #tpu.memory_space<semaphore_mem>>)
      %dma_wait3A_27 = arith.constant 0 : i32
      %dma_wait3A_28 = arith.constant 0 : i32
      %dma_wait3A_29 = tpu.memref_slice %arg2[%dma_wait3A_27, %dma_wait3A_28] : memref<400000x256xf32, #tpu.memory_space<hbm>> -> memref<400000x256xf32, #tpu.memory_space<hbm>>
      tpu.wait_indirect_dma semaphore(%arg10 : memref<!tpu.dma_semaphore, #tpu.memory_space<semaphore_mem>>) src(%dma_wait3A_29 : memref<400000x256xf32, #tpu.memory_space<hbm>>) dst(%arg8 : memref<128x256xf32, #tpu.memory_space<vmem>>)
      %add3A_30 = arith.constant 128 : i32
      %add3A_31 = arith.addi %add3A_13, %add3A_30 : i32
      %dma_start3A_32 = arith.constant 0 : i32
      %dma_start3A_33 = tpu.memref_slice %arg4[%add3A_31, %dma_start3A_32] : memref<163840x256xf32, #tpu.memory_space<hbm>> -> memref<128x256xf32, #tpu.memory_space<hbm>>
      %dma_start3A_34 = arith.constant 0 : i32
      %dma_start3A_35 = tpu.memref_slice %arg4[%add3A_31, %dma_start3A_34] : memref<163840x256xf32, #tpu.memory_space<hbm>> -> memref<128x256xf32, #tpu.memory_space<hbm>>
      tpu.enqueue_dma source(%arg8 : memref<128x256xf32, #tpu.memory_space<vmem>>) target(%dma_start3A_35 : memref<128x256xf32, #tpu.memory_space<hbm>>) target_semaphore(%arg12 : memref<!tpu.dma_semaphore, #tpu.memory_space<semaphore_mem>>)
      %dma_wait3A_36 = arith.constant 0 : i32
      %dma_wait3A_37 = tpu.memref_slice %arg4[%add3A_13, %dma_wait3A_36] : memref<163840x256xf32, #tpu.memory_space<hbm>> -> memref<128x256xf32, #tpu.memory_space<hbm>>
      %dma_wait3A_38 = arith.constant 0 : i32
      %dma_wait3A_39 = tpu.memref_slice %arg4[%add3A_13, %dma_wait3A_38] : memref<163840x256xf32, #tpu.memory_space<hbm>> -> memref<128x256xf32, #tpu.memory_space<hbm>>
      tpu.wait_dma2 semaphore(%arg11 : memref<!tpu.dma_semaphore, #tpu.memory_space<semaphore_mem>>) src(%arg7 : memref<128x256xf32, #tpu.memory_space<vmem>>) dst(%dma_wait3A_39 : memref<128x256xf32, #tpu.memory_space<hbm>>)
      %dma_wait3A_40 = arith.constant 0 : i32
      %dma_wait3A_41 = tpu.memref_slice %arg4[%add3A_31, %dma_wait3A_40] : memref<163840x256xf32, #tpu.memory_space<hbm>> -> memref<128x256xf32, #tpu.memory_space<hbm>>
      %dma_wait3A_42 = arith.constant 0 : i32
      %dma_wait3A_43 = tpu.memref_slice %arg4[%add3A_31, %dma_wait3A_42] : memref<163840x256xf32, #tpu.memory_space<hbm>> -> memref<128x256xf32, #tpu.memory_space<hbm>>
      tpu.wait_dma2 semaphore(%arg12 : memref<!tpu.dma_semaphore, #tpu.memory_space<semaphore_mem>>) src(%arg8 : memref<128x256xf32, #tpu.memory_space<vmem>>) dst(%dma_wait3A_43 : memref<128x256xf32, #tpu.memory_space<hbm>>)
    }
    %scan3A_7 = arith.constant 20 : i32
    return
  }
}

#map = affine_map<(d0, d1) -> (0, 0)>
#map1 = affine_map<(d0, d1) -> (0)>
module attributes {stable_mosaic.version = 14 : i64} {
  func.func @_node_gather_body(%arg0: i32, %arg1: i32, %arg2: memref<100000x256xf32, #tpu.memory_space<hbm>>, %arg3: memref<163840xi32, #tpu.memory_space<hbm>>, %arg4: memref<8192xi32, #tpu.memory_space<hbm>>, %arg5: memref<163840x256xf32, #tpu.memory_space<hbm>>, %arg6: memref<8192x256xf32, #tpu.memory_space<hbm>>, %arg7: memref<128xi32, #tpu.memory_space<vmem>>, %arg8: memref<128xi32, #tpu.memory_space<vmem>>, %arg9: memref<128x256xf32, #tpu.memory_space<vmem>>, %arg10: memref<128x256xf32, #tpu.memory_space<vmem>>, %arg11: memref<!tpu.dma_semaphore, #tpu.memory_space<semaphore_mem>>, %arg12: memref<!tpu.dma_semaphore, #tpu.memory_space<semaphore_mem>>, %arg13: memref<!tpu.dma_semaphore, #tpu.memory_space<semaphore_mem>>, %arg14: memref<!tpu.dma_semaphore, #tpu.memory_space<semaphore_mem>>) attributes {dimension_semantics = [#tpu.dimension_semantics<core_parallel>, #tpu.dimension_semantics<subcore_parallel>], iteration_bounds = array<i64: 2, 16>, scalar_prefetch = 0 : i64, scratch_operands = 8 : i64, tpu.core_type = #tpu.core_type<sc_vector_subcore>, window_params = [{transform_indices = #map}, {transform_indices = #map1}, {transform_indices = #map1}, {transform_indices = #map}, {transform_indices = #map}]} {
    %mul3A = arith.constant 2 : i32
    %mul3A_0 = arith.muli %arg1, %mul3A : i32
    %add3A = arith.addi %mul3A_0, %arg0 : i32
    %mul3A_1 = arith.constant 5120 : i32
    %mul3A_2 = arith.muli %add3A, %mul3A_1 : i32
    %scan3A = arith.constant 0 : i32
    %scan3A_3 = arith.constant 0 : i32
    %scan3A_4 = arith.constant 20 : i32
    %scan3A_5 = arith.addi %scan3A_3, %scan3A_4 : i32
    %scan3A_6 = arith.constant 1 : i32
    scf.for %scan3A_16 = %scan3A_3 to %scan3A_5 step %scan3A_6  : i32 {
      %mul3A_17 = arith.constant 2 : i32
      %mul3A_18 = arith.muli %mul3A_17, %scan3A_16 : i32
      %mul3A_19 = arith.constant 128 : i32
      %mul3A_20 = arith.muli %mul3A_18, %mul3A_19 : i32
      %add3A_21 = arith.addi %mul3A_2, %mul3A_20 : i32
      "tpu.region"() ({
        %run_scoped3A = tpu.sem_alloc : memref<!tpu.dma_semaphore, #tpu.memory_space<semaphore_mem>>
        %dma_start3A_52 = tpu.memref_slice %arg3[%add3A_21] : memref<163840xi32, #tpu.memory_space<hbm>> -> memref<128xi32, #tpu.memory_space<hbm>>
        %dma_start3A_53 = tpu.memref_slice %arg3[%add3A_21] : memref<163840xi32, #tpu.memory_space<hbm>> -> memref<128xi32, #tpu.memory_space<hbm>>
        tpu.enqueue_dma source(%dma_start3A_53 : memref<128xi32, #tpu.memory_space<hbm>>) target(%arg7 : memref<128xi32, #tpu.memory_space<vmem>>) target_semaphore(%run_scoped3A : memref<!tpu.dma_semaphore, #tpu.memory_space<semaphore_mem>>)
        %dma_wait3A_54 = tpu.memref_slice %arg3[%add3A_21] : memref<163840xi32, #tpu.memory_space<hbm>> -> memref<128xi32, #tpu.memory_space<hbm>>
        %dma_wait3A_55 = tpu.memref_slice %arg3[%add3A_21] : memref<163840xi32, #tpu.memory_space<hbm>> -> memref<128xi32, #tpu.memory_space<hbm>>
        tpu.wait_dma2 semaphore(%run_scoped3A : memref<!tpu.dma_semaphore, #tpu.memory_space<semaphore_mem>>) src(%dma_wait3A_55 : memref<128xi32, #tpu.memory_space<hbm>>) dst(%arg7 : memref<128xi32, #tpu.memory_space<vmem>>)
        tpu.yield
      }) : () -> ()
      %dma_start3A = arith.constant 0 : i32
      %dma_start3A_22 = arith.constant 0 : i32
      %dma_start3A_23 = tpu.memref_slice %arg2[%dma_start3A, %dma_start3A_22] : memref<100000x256xf32, #tpu.memory_space<hbm>> -> memref<100000x256xf32, #tpu.memory_space<hbm>>
      tpu.enqueue_indirect_dma source(%dma_start3A_23 : memref<100000x256xf32, #tpu.memory_space<hbm>>) target(%arg9 : memref<128x256xf32, #tpu.memory_space<vmem>>) offsets(%arg7 : memref<128xi32, #tpu.memory_space<vmem>>) semaphore(%arg11 : memref<!tpu.dma_semaphore, #tpu.memory_space<semaphore_mem>>)
      %add3A_24 = arith.constant 128 : i32
      %add3A_25 = arith.addi %add3A_21, %add3A_24 : i32
      "tpu.region"() ({
        %run_scoped3A = tpu.sem_alloc : memref<!tpu.dma_semaphore, #tpu.memory_space<semaphore_mem>>
        %dma_start3A_52 = tpu.memref_slice %arg3[%add3A_25] : memref<163840xi32, #tpu.memory_space<hbm>> -> memref<128xi32, #tpu.memory_space<hbm>>
        %dma_start3A_53 = tpu.memref_slice %arg3[%add3A_25] : memref<163840xi32, #tpu.memory_space<hbm>> -> memref<128xi32, #tpu.memory_space<hbm>>
        tpu.enqueue_dma source(%dma_start3A_53 : memref<128xi32, #tpu.memory_space<hbm>>) target(%arg8 : memref<128xi32, #tpu.memory_space<vmem>>) target_semaphore(%run_scoped3A : memref<!tpu.dma_semaphore, #tpu.memory_space<semaphore_mem>>)
        %dma_wait3A_54 = tpu.memref_slice %arg3[%add3A_25] : memref<163840xi32, #tpu.memory_space<hbm>> -> memref<128xi32, #tpu.memory_space<hbm>>
        %dma_wait3A_55 = tpu.memref_slice %arg3[%add3A_25] : memref<163840xi32, #tpu.memory_space<hbm>> -> memref<128xi32, #tpu.memory_space<hbm>>
        tpu.wait_dma2 semaphore(%run_scoped3A : memref<!tpu.dma_semaphore, #tpu.memory_space<semaphore_mem>>) src(%dma_wait3A_55 : memref<128xi32, #tpu.memory_space<hbm>>) dst(%arg8 : memref<128xi32, #tpu.memory_space<vmem>>)
        tpu.yield
      }) : () -> ()
      %dma_start3A_26 = arith.constant 0 : i32
      %dma_start3A_27 = arith.constant 0 : i32
      %dma_start3A_28 = tpu.memref_slice %arg2[%dma_start3A_26, %dma_start3A_27] : memref<100000x256xf32, #tpu.memory_space<hbm>> -> memref<100000x256xf32, #tpu.memory_space<hbm>>
      tpu.enqueue_indirect_dma source(%dma_start3A_28 : memref<100000x256xf32, #tpu.memory_space<hbm>>) target(%arg10 : memref<128x256xf32, #tpu.memory_space<vmem>>) offsets(%arg8 : memref<128xi32, #tpu.memory_space<vmem>>) semaphore(%arg12 : memref<!tpu.dma_semaphore, #tpu.memory_space<semaphore_mem>>)
      %dma_wait3A = arith.constant 0 : i32
      %dma_wait3A_29 = arith.constant 0 : i32
      %dma_wait3A_30 = tpu.memref_slice %arg2[%dma_wait3A, %dma_wait3A_29] : memref<100000x256xf32, #tpu.memory_space<hbm>> -> memref<100000x256xf32, #tpu.memory_space<hbm>>
      tpu.wait_indirect_dma semaphore(%arg11 : memref<!tpu.dma_semaphore, #tpu.memory_space<semaphore_mem>>) src(%dma_wait3A_30 : memref<100000x256xf32, #tpu.memory_space<hbm>>) dst(%arg9 : memref<128x256xf32, #tpu.memory_space<vmem>>)
      %dma_start3A_31 = arith.constant 0 : i32
      %dma_start3A_32 = tpu.memref_slice %arg5[%add3A_21, %dma_start3A_31] : memref<163840x256xf32, #tpu.memory_space<hbm>> -> memref<128x256xf32, #tpu.memory_space<hbm>>
      %dma_start3A_33 = arith.constant 0 : i32
      %dma_start3A_34 = tpu.memref_slice %arg5[%add3A_21, %dma_start3A_33] : memref<163840x256xf32, #tpu.memory_space<hbm>> -> memref<128x256xf32, #tpu.memory_space<hbm>>
      tpu.enqueue_dma source(%arg9 : memref<128x256xf32, #tpu.memory_space<vmem>>) target(%dma_start3A_34 : memref<128x256xf32, #tpu.memory_space<hbm>>) target_semaphore(%arg13 : memref<!tpu.dma_semaphore, #tpu.memory_space<semaphore_mem>>)
      %dma_wait3A_35 = arith.constant 0 : i32
      %dma_wait3A_36 = arith.constant 0 : i32
      %dma_wait3A_37 = tpu.memref_slice %arg2[%dma_wait3A_35, %dma_wait3A_36] : memref<100000x256xf32, #tpu.memory_space<hbm>> -> memref<100000x256xf32, #tpu.memory_space<hbm>>
      tpu.wait_indirect_dma semaphore(%arg12 : memref<!tpu.dma_semaphore, #tpu.memory_space<semaphore_mem>>) src(%dma_wait3A_37 : memref<100000x256xf32, #tpu.memory_space<hbm>>) dst(%arg10 : memref<128x256xf32, #tpu.memory_space<vmem>>)
      %add3A_38 = arith.constant 128 : i32
      %add3A_39 = arith.addi %add3A_21, %add3A_38 : i32
      %dma_start3A_40 = arith.constant 0 : i32
      %dma_start3A_41 = tpu.memref_slice %arg5[%add3A_39, %dma_start3A_40] : memref<163840x256xf32, #tpu.memory_space<hbm>> -> memref<128x256xf32, #tpu.memory_space<hbm>>
      %dma_start3A_42 = arith.constant 0 : i32
      %dma_start3A_43 = tpu.memref_slice %arg5[%add3A_39, %dma_start3A_42] : memref<163840x256xf32, #tpu.memory_space<hbm>> -> memref<128x256xf32, #tpu.memory_space<hbm>>
      tpu.enqueue_dma source(%arg10 : memref<128x256xf32, #tpu.memory_space<vmem>>) target(%dma_start3A_43 : memref<128x256xf32, #tpu.memory_space<hbm>>) target_semaphore(%arg14 : memref<!tpu.dma_semaphore, #tpu.memory_space<semaphore_mem>>)
      %dma_wait3A_44 = arith.constant 0 : i32
      %dma_wait3A_45 = tpu.memref_slice %arg5[%add3A_21, %dma_wait3A_44] : memref<163840x256xf32, #tpu.memory_space<hbm>> -> memref<128x256xf32, #tpu.memory_space<hbm>>
      %dma_wait3A_46 = arith.constant 0 : i32
      %dma_wait3A_47 = tpu.memref_slice %arg5[%add3A_21, %dma_wait3A_46] : memref<163840x256xf32, #tpu.memory_space<hbm>> -> memref<128x256xf32, #tpu.memory_space<hbm>>
      tpu.wait_dma2 semaphore(%arg13 : memref<!tpu.dma_semaphore, #tpu.memory_space<semaphore_mem>>) src(%arg9 : memref<128x256xf32, #tpu.memory_space<vmem>>) dst(%dma_wait3A_47 : memref<128x256xf32, #tpu.memory_space<hbm>>)
      %dma_wait3A_48 = arith.constant 0 : i32
      %dma_wait3A_49 = tpu.memref_slice %arg5[%add3A_39, %dma_wait3A_48] : memref<163840x256xf32, #tpu.memory_space<hbm>> -> memref<128x256xf32, #tpu.memory_space<hbm>>
      %dma_wait3A_50 = arith.constant 0 : i32
      %dma_wait3A_51 = tpu.memref_slice %arg5[%add3A_39, %dma_wait3A_50] : memref<163840x256xf32, #tpu.memory_space<hbm>> -> memref<128x256xf32, #tpu.memory_space<hbm>>
      tpu.wait_dma2 semaphore(%arg14 : memref<!tpu.dma_semaphore, #tpu.memory_space<semaphore_mem>>) src(%arg10 : memref<128x256xf32, #tpu.memory_space<vmem>>) dst(%dma_wait3A_51 : memref<128x256xf32, #tpu.memory_space<hbm>>)
    }
    %scan3A_7 = arith.constant 20 : i32
    %mul3A_8 = arith.constant 256 : i32
    %mul3A_9 = arith.muli %add3A, %mul3A_8 : i32
    %scan3A_10 = arith.constant 0 : i32
    %scan3A_11 = arith.constant 0 : i32
    %scan3A_12 = arith.constant 2 : i32
    %scan3A_13 = arith.addi %scan3A_11, %scan3A_12 : i32
    %scan3A_14 = arith.constant 1 : i32
    scf.for %scan3A_16 = %scan3A_11 to %scan3A_13 step %scan3A_14  : i32 {
      %mul3A_17 = arith.constant 128 : i32
      %mul3A_18 = arith.muli %scan3A_16, %mul3A_17 : i32
      %add3A_19 = arith.addi %mul3A_9, %mul3A_18 : i32
      "tpu.region"() ({
        %run_scoped3A = tpu.sem_alloc : memref<!tpu.dma_semaphore, #tpu.memory_space<semaphore_mem>>
        %dma_start3A_24 = tpu.memref_slice %arg4[%add3A_19] : memref<8192xi32, #tpu.memory_space<hbm>> -> memref<128xi32, #tpu.memory_space<hbm>>
        %dma_start3A_25 = tpu.memref_slice %arg4[%add3A_19] : memref<8192xi32, #tpu.memory_space<hbm>> -> memref<128xi32, #tpu.memory_space<hbm>>
        tpu.enqueue_dma source(%dma_start3A_25 : memref<128xi32, #tpu.memory_space<hbm>>) target(%arg7 : memref<128xi32, #tpu.memory_space<vmem>>) target_semaphore(%run_scoped3A : memref<!tpu.dma_semaphore, #tpu.memory_space<semaphore_mem>>)
        %dma_wait3A_26 = tpu.memref_slice %arg4[%add3A_19] : memref<8192xi32, #tpu.memory_space<hbm>> -> memref<128xi32, #tpu.memory_space<hbm>>
        %dma_wait3A_27 = tpu.memref_slice %arg4[%add3A_19] : memref<8192xi32, #tpu.memory_space<hbm>> -> memref<128xi32, #tpu.memory_space<hbm>>
        tpu.wait_dma2 semaphore(%run_scoped3A : memref<!tpu.dma_semaphore, #tpu.memory_space<semaphore_mem>>) src(%dma_wait3A_27 : memref<128xi32, #tpu.memory_space<hbm>>) dst(%arg7 : memref<128xi32, #tpu.memory_space<vmem>>)
        tpu.yield
      }) : () -> ()
      %dma_start3A = arith.constant 0 : i32
      %dma_start3A_20 = arith.constant 0 : i32
      %dma_start3A_21 = tpu.memref_slice %arg2[%dma_start3A, %dma_start3A_20] : memref<100000x256xf32, #tpu.memory_space<hbm>> -> memref<100000x256xf32, #tpu.memory_space<hbm>>
      tpu.enqueue_indirect_dma source(%dma_start3A_21 : memref<100000x256xf32, #tpu.memory_space<hbm>>) target(%arg9 : memref<128x256xf32, #tpu.memory_space<vmem>>) offsets(%arg7 : memref<128xi32, #tpu.memory_space<vmem>>) semaphore(%arg11 : memref<!tpu.dma_semaphore, #tpu.memory_space<semaphore_mem>>)
      %dma_wait3A = arith.constant 0 : i32
      %dma_wait3A_22 = arith.constant 0 : i32
      %dma_wait3A_23 = tpu.memref_slice %arg2[%dma_wait3A, %dma_wait3A_22] : memref<100000x256xf32, #tpu.memory_space<hbm>> -> memref<100000x256xf32, #tpu.memory_space<hbm>>
      tpu.wait_indirect_dma semaphore(%arg11 : memref<!tpu.dma_semaphore, #tpu.memory_space<semaphore_mem>>) src(%dma_wait3A_23 : memref<100000x256xf32, #tpu.memory_space<hbm>>) dst(%arg9 : memref<128x256xf32, #tpu.memory_space<vmem>>)
      "tpu.region"() ({
        %run_scoped3A = tpu.sem_alloc : memref<!tpu.dma_semaphore, #tpu.memory_space<semaphore_mem>>
        %dma_start3A_24 = arith.constant 0 : i32
        %dma_start3A_25 = tpu.memref_slice %arg6[%add3A_19, %dma_start3A_24] : memref<8192x256xf32, #tpu.memory_space<hbm>> -> memref<128x256xf32, #tpu.memory_space<hbm>>
        %dma_start3A_26 = arith.constant 0 : i32
        %dma_start3A_27 = tpu.memref_slice %arg6[%add3A_19, %dma_start3A_26] : memref<8192x256xf32, #tpu.memory_space<hbm>> -> memref<128x256xf32, #tpu.memory_space<hbm>>
        tpu.enqueue_dma source(%arg9 : memref<128x256xf32, #tpu.memory_space<vmem>>) target(%dma_start3A_27 : memref<128x256xf32, #tpu.memory_space<hbm>>) target_semaphore(%run_scoped3A : memref<!tpu.dma_semaphore, #tpu.memory_space<semaphore_mem>>)
        %dma_wait3A_28 = arith.constant 0 : i32
        %dma_wait3A_29 = tpu.memref_slice %arg6[%add3A_19, %dma_wait3A_28] : memref<8192x256xf32, #tpu.memory_space<hbm>> -> memref<128x256xf32, #tpu.memory_space<hbm>>
        %dma_wait3A_30 = arith.constant 0 : i32
        %dma_wait3A_31 = tpu.memref_slice %arg6[%add3A_19, %dma_wait3A_30] : memref<8192x256xf32, #tpu.memory_space<hbm>> -> memref<128x256xf32, #tpu.memory_space<hbm>>
        tpu.wait_dma2 semaphore(%run_scoped3A : memref<!tpu.dma_semaphore, #tpu.memory_space<semaphore_mem>>) src(%arg9 : memref<128x256xf32, #tpu.memory_space<vmem>>) dst(%dma_wait3A_31 : memref<128x256xf32, #tpu.memory_space<hbm>>)
        tpu.yield
      }) : () -> ()
    }
    %scan3A_15 = arith.constant 2 : i32
    return
  }
}

module attributes {stable_mosaic.version = 14 : i64} {
  func.func @_add_pad_body(%arg0: i32, %arg1: memref<172x4096xf32, #tpu.memory_space<vmem>>, %arg2: memref<172x4096xf32, #tpu.memory_space<vmem>>, %arg3: memref<4096x256xf32, #tpu.memory_space<vmem>>) attributes {dimension_semantics = [#tpu.dimension_semantics<arbitrary>], iteration_bounds = array<i64: 25>, scalar_prefetch = 0 : i64, scratch_operands = 0 : i64, tpu.core_type = #tpu.core_type<tc>, window_params = [{transform_indices = @transform_0, window_bounds = array<i64: 172, 4096>}, {transform_indices = @transform_1, window_bounds = array<i64: 172, 4096>}, {transform_indices = @transform_2, window_bounds = array<i64: 4096, 256>}]} {
    %get3A = arith.constant 0 : index
    %get3A_0 = arith.constant 0 : index
    %get3A_1 = vector.load %arg1[%get3A, %get3A_0] : memref<172x4096xf32, #tpu.memory_space<vmem>>, vector<172x4096xf32>
    %get3A_2 = arith.constant 0 : index
    %get3A_3 = arith.constant 0 : index
    %get3A_4 = vector.load %arg2[%get3A_2, %get3A_3] : memref<172x4096xf32, #tpu.memory_space<vmem>>, vector<172x4096xf32>
    %add3A = arith.addf %get3A_1, %get3A_4 : vector<172x4096xf32>
    %transpose3A = tpu.transpose %add3A, [1, 0] : vector<172x4096xf32> -> vector<4096x172xf32>
    %broadcast_in_dim3A = arith.constant 0.000000e+00 : f32
    %broadcast_in_dim3A_5 = vector.broadcast %broadcast_in_dim3A : f32 to vector<4096x84xf32>
    %concatenate3A = tpu.concatenate %transpose3A, %broadcast_in_dim3A_5 in 1 : vector<4096x172xf32>, vector<4096x84xf32> -> vector<4096x256xf32>
    %swap3A = arith.constant 0 : index
    %swap3A_6 = arith.constant 0 : index
    %swap3A_7 = vector.load %arg3[%swap3A, %swap3A_6] : memref<4096x256xf32, #tpu.memory_space<vmem>>, vector<4096x256xf32>
    tpu.vector_store %arg3[%swap3A, %swap3A_6], %concatenate3A {strides = array<i32>} : memref<4096x256xf32, #tpu.memory_space<vmem>>, vector<4096x256xf32>,
    return
  }
  func.func @transform_0(%arg0: i32) -> (i32, i32) {
    %c0_i32 = arith.constant 0 : i32
    %c0_i32_0 = arith.constant 0 : i32
    return %c0_i32, %arg0 : i32, i32
  }
  func.func @transform_1(%arg0: i32) -> (i32, i32) {
    %c0_i32 = arith.constant 0 : i32
    %c0_i32_0 = arith.constant 0 : i32
    return %c0_i32, %arg0 : i32, i32
  }
  func.func @transform_2(%arg0: i32) -> (i32, i32) {
    %c0_i32 = arith.constant 0 : i32
    %c0_i32_0 = arith.constant 0 : i32
    return %arg0, %c0_i32 : i32, i32
  }
}

module attributes {stable_mosaic.version = 14 : i64} {
  func.func @_pad_body(%arg0: i32, %arg1: memref<172x8192xf32, #tpu.memory_space<vmem>>, %arg2: memref<8192x256xf32, #tpu.memory_space<vmem>>) attributes {dimension_semantics = [#tpu.dimension_semantics<arbitrary>], iteration_bounds = array<i64: 49>, scalar_prefetch = 0 : i64, scratch_operands = 0 : i64, tpu.core_type = #tpu.core_type<tc>, window_params = [{transform_indices = @transform_0, window_bounds = array<i64: 172, 8192>}, {transform_indices = @transform_1, window_bounds = array<i64: 8192, 256>}]} {
    %get3A = arith.constant 0 : index
    %get3A_0 = arith.constant 0 : index
    %get3A_1 = vector.load %arg1[%get3A, %get3A_0] : memref<172x8192xf32, #tpu.memory_space<vmem>>, vector<172x8192xf32>
    %transpose3A = tpu.transpose %get3A_1, [1, 0] : vector<172x8192xf32> -> vector<8192x172xf32>
    %broadcast_in_dim3A = arith.constant 0.000000e+00 : f32
    %broadcast_in_dim3A_2 = vector.broadcast %broadcast_in_dim3A : f32 to vector<8192x84xf32>
    %concatenate3A = tpu.concatenate %transpose3A, %broadcast_in_dim3A_2 in 1 : vector<8192x172xf32>, vector<8192x84xf32> -> vector<8192x256xf32>
    %swap3A = arith.constant 0 : index
    %swap3A_3 = arith.constant 0 : index
    %swap3A_4 = vector.load %arg2[%swap3A, %swap3A_3] : memref<8192x256xf32, #tpu.memory_space<vmem>>, vector<8192x256xf32>
    tpu.vector_store %arg2[%swap3A, %swap3A_3], %concatenate3A {strides = array<i32>} : memref<8192x256xf32, #tpu.memory_space<vmem>>, vector<8192x256xf32>,
    return
  }
  func.func @transform_0(%arg0: i32) -> (i32, i32) {
    %c0_i32 = arith.constant 0 : i32
    %c0_i32_0 = arith.constant 0 : i32
    return %c0_i32, %arg0 : i32, i32
  }
  func.func @transform_1(%arg0: i32) -> (i32, i32) {
    %c0_i32 = arith.constant 0 : i32
    %c0_i32_0 = arith.constant 0 : i32
    return %arg0, %c0_i32 : i32, i32
  }
}

module attributes {stable_mosaic.version = 14 : i64} {
  func.func @_fused_body(%arg0: i32, %arg1: memref<64x1xf32, #tpu.memory_space<vmem>>, %arg2: memref<64x20xf32, #tpu.memory_space<vmem>>, %arg3: memref<64x20xf32, #tpu.memory_space<vmem>>, %arg4: memref<64x256xf32, #tpu.memory_space<vmem>>, %arg5: memref<64x256xf32, #tpu.memory_space<vmem>>, %arg6: memref<1280x256xf32, #tpu.memory_space<vmem>>, %arg7: memref<1280x256xf32, #tpu.memory_space<vmem>>, %arg8: memref<1280x256xf32, #tpu.memory_space<vmem>>, %arg9: memref<1280x256xf32, #tpu.memory_space<vmem>>, %arg10: memref<1x172xf32, #tpu.memory_space<vmem>>, %arg11: memref<1x172xf32, #tpu.memory_space<vmem>>, %arg12: memref<256x172xf32, #tpu.memory_space<vmem>>, %arg13: memref<172x172xf32, #tpu.memory_space<vmem>>, %arg14: memref<256x172xbf16, #tpu.memory_space<vmem>>, %arg15: memref<256x172xbf16, #tpu.memory_space<vmem>>, %arg16: memref<172x172xbf16, #tpu.memory_space<vmem>>, %arg17: memref<256x172xbf16, #tpu.memory_space<vmem>>, %arg18: memref<256x172xbf16, #tpu.memory_space<vmem>>, %arg19: memref<172x172xbf16, #tpu.memory_space<vmem>>, %arg20: memref<172x172xf32, #tpu.memory_space<vmem>>, %arg21: memref<256x172xf32, #tpu.memory_space<vmem>>, %arg22: memref<1x172xf32, #tpu.memory_space<vmem>>, %arg23: memref<172x172xf32, #tpu.memory_space<vmem>>, %arg24: memref<1x172xf32, #tpu.memory_space<vmem>>, %arg25: memref<172x172xf32, #tpu.memory_space<vmem>>, %arg26: memref<172x172xf32, #tpu.memory_space<vmem>>, %arg27: memref<1x172xf32, #tpu.memory_space<vmem>>, %arg28: memref<172x1xf32, #tpu.memory_space<vmem>>, %arg29: memref<1x1xf32, #tpu.memory_space<vmem>>, %arg30: memref<64x1xf32, #tpu.memory_space<vmem>>) attributes {dimension_semantics = [#tpu.dimension_semantics<arbitrary>], iteration_bounds = array<i64: 64>, scalar_prefetch = 0 : i64, scratch_operands = 0 : i64, tpu.core_type = #tpu.core_type<tc>, window_params = [{transform_indices = @transform_0, window_bounds = array<i64: 64, 1>}, {transform_indices = @transform_1, window_bounds = array<i64: 64, 20>}, {transform_indices = @transform_2, window_bounds = array<i64: 64, 20>}, {transform_indices = @transform_3, window_bounds = array<i64: 64, 256>}, {transform_indices = @transform_4, window_bounds = array<i64: 64, 256>}, {transform_indices = @transform_5, window_bounds = array<i64: 1280, 256>}, {transform_indices = @transform_6, window_bounds = array<i64: 1280, 256>}, {transform_indices = @transform_7, window_bounds = array<i64: 1280, 256>}, {transform_indices = @transform_8, window_bounds = array<i64: 1280, 256>}, {pipeline_mode = #tpu.pipeline_mode<synchronous>, transform_indices = @transform_9, window_bounds = array<i64: 1, 172>}, {pipeline_mode = #tpu.pipeline_mode<synchronous>, transform_indices = @transform_10, window_bounds = array<i64: 1, 172>}, {pipeline_mode = #tpu.pipeline_mode<synchronous>, transform_indices = @transform_11, window_bounds = array<i64: 256, 172>}, {pipeline_mode = #tpu.pipeline_mode<synchronous>, transform_indices = @transform_12, window_bounds = array<i64: 172, 172>}, {pipeline_mode = #tpu.pipeline_mode<synchronous>, transform_indices = @transform_13, window_bounds = array<i64: 256, 172>}, {pipeline_mode = #tpu.pipeline_mode<synchronous>, transform_indices = @transform_14, window_bounds = array<i64: 256, 172>}, {pipeline_mode = #tpu.pipeline_mode<synchronous>, transform_indices = @transform_15, window_bounds = array<i64: 172, 172>}, {pipeline_mode = #tpu.pipeline_mode<synchronous>, transform_indices = @transform_16, window_bounds = array<i64: 256, 172>}, {pipeline_mode = #tpu.pipeline_mode<synchronous>, transform_indices = @transform_17, window_bounds = array<i64: 256, 172>}, {pipeline_mode = #tpu.pipeline_mode<synchronous>, transform_indices = @transform_18, window_bounds = array<i64: 172, 172>}, {pipeline_mode = #tpu.pipeline_mode<synchronous>, transform_indices = @transform_19, window_bounds = array<i64: 172, 172>}, {pipeline_mode = #tpu.pipeline_mode<synchronous>, transform_indices = @transform_20, window_bounds = array<i64: 256, 172>}, {pipeline_mode = #tpu.pipeline_mode<synchronous>, transform_indices = @transform_21, window_bounds = array<i64: 1, 172>}, {pipeline_mode = #tpu.pipeline_mode<synchronous>, transform_indices = @transform_22, window_bounds = array<i64: 172, 172>}, {pipeline_mode = #tpu.pipeline_mode<synchronous>, transform_indices = @transform_23, window_bounds = array<i64: 1, 172>}, {pipeline_mode = #tpu.pipeline_mode<synchronous>, transform_indices = @transform_24, window_bounds = array<i64: 172, 172>}, {pipeline_mode = #tpu.pipeline_mode<synchronous>, transform_indices = @transform_25, window_bounds = array<i64: 172, 172>}, {pipeline_mode = #tpu.pipeline_mode<synchronous>, transform_indices = @transform_26, window_bounds = array<i64: 1, 172>}, {pipeline_mode = #tpu.pipeline_mode<synchronous>, transform_indices = @transform_27, window_bounds = array<i64: 172, 1>}, {pipeline_mode = #tpu.pipeline_mode<synchronous>, transform_indices = @transform_28, window_bounds = array<i64: 1, 1>}, {transform_indices = @transform_29, window_bounds = array<i64: 64, 1>}]} {
    %iota3A = tpu.iota {dimensions = array<i32: 1>} : vector<1x172xi32>
    %lt3A = arith.constant 86 : i32
    %lt3A_0 = vector.broadcast %lt3A : i32 to vector<1x172xi32>
    %lt3A_1 = arith.cmpi slt, %iota3A, %lt3A_0 : vector<1x172xi32>
    %convert_element_type3A = arith.extui %lt3A_1 : vector<1x172xi1> to vector<1x172xi32>
    %convert_element_type3A_2 = arith.sitofp %convert_element_type3A : vector<1x172xi32> to vector<1x172xf32>
    %sub3A = arith.constant 1.000000e+00 : f32
    %sub3A_3 = vector.broadcast %sub3A : f32 to vector<1x172xf32>
    %sub3A_4 = arith.subf %sub3A_3, %convert_element_type3A_2 : vector<1x172xf32>
    %iota3A_5 = tpu.iota {dimensions = array<i32: 0>} : vector<1280x64xi32>
    %iota3A_6 = tpu.iota {dimensions = array<i32: 1>} : vector<1280x64xi32>
    %jit3A = arith.constant 20 : i32
    %div3A = vector.broadcast %jit3A : i32 to vector<1280x64xi32>
    %div3A_7 = arith.divsi %iota3A_5, %div3A : vector<1280x64xi32>
    %sign3A = arith.constant 0 : i32
    %sign3A_8 = vector.broadcast %sign3A : i32 to vector<1280x64xi32>
    %sign3A_9 = arith.cmpi sgt, %iota3A_5, %sign3A_8 : vector<1280x64xi32>
    %sign3A_10 = arith.extui %sign3A_9 : vector<1280x64xi1> to vector<1280x64xi32>
    %sign3A_11 = arith.constant 0 : i32
    %sign3A_12 = vector.broadcast %sign3A_11 : i32 to vector<1280x64xi32>
    %sign3A_13 = arith.cmpi slt, %iota3A_5, %sign3A_12 : vector<1280x64xi32>
    %sign3A_14 = arith.extui %sign3A_13 : vector<1280x64xi1> to vector<1280x64xi32>
    %sign3A_15 = arith.subi %sign3A_10, %sign3A_14 : vector<1280x64xi32>
    %sign3A_16 = arith.constant 0 : i32
    %sign3A_17 = arith.cmpi sgt, %jit3A, %sign3A_16 : i32
    %sign3A_18 = arith.extui %sign3A_17 : i1 to i32
    %sign3A_19 = arith.constant 0 : i32
    %sign3A_20 = arith.cmpi slt, %jit3A, %sign3A_19 : i32
    %sign3A_21 = arith.extui %sign3A_20 : i1 to i32
    %sign3A_22 = arith.subi %sign3A_18, %sign3A_21 : i32
    %ne3A = vector.broadcast %sign3A_22 : i32 to vector<1280x64xi32>
    %ne3A_23 = arith.cmpi ne, %sign3A_15, %ne3A : vector<1280x64xi32>
    %rem3A = vector.broadcast %jit3A : i32 to vector<1280x64xi32>
    %rem3A_24 = arith.remsi %iota3A_5, %rem3A : vector<1280x64xi32>
    %ne3A_25 = arith.constant 0 : i32
    %ne3A_26 = vector.broadcast %ne3A_25 : i32 to vector<1280x64xi32>
    %ne3A_27 = arith.cmpi ne, %rem3A_24, %ne3A_26 : vector<1280x64xi32>
    %and3A = arith.andi %ne3A_23, %ne3A_27 : vector<1280x64xi1>
    %sub3A_28 = arith.constant 1 : i32
    %sub3A_29 = vector.broadcast %sub3A_28 : i32 to vector<1280x64xi32>
    %sub3A_30 = arith.subi %div3A_7, %sub3A_29 : vector<1280x64xi32>
    %select_n3A = arith.select %and3A, %sub3A_30, %div3A_7 : vector<1280x64xi1>, vector<1280x64xi32>
    %eq3A = arith.cmpi eq, %select_n3A, %iota3A_6 : vector<1280x64xi32>
    %convert_element_type3A_31 = arith.extui %eq3A : vector<1280x64xi1> to vector<1280x64xi32>
    %convert_element_type3A_32 = arith.sitofp %convert_element_type3A_31 : vector<1280x64xi32> to vector<1280x64xf32>
    %sub3A_33 = arith.constant 1.000000e+00 : f32
    %sub3A_34 = vector.broadcast %sub3A_33 : f32 to vector<1280x64xf32>
    %sub3A_35 = arith.subf %convert_element_type3A_32, %sub3A_34 : vector<1280x64xf32>
    %mul3A = arith.constant 1.000000e+30 : f32
    %mul3A_36 = vector.broadcast %mul3A : f32 to vector<1280x64xf32>
    %mul3A_37 = arith.mulf %sub3A_35, %mul3A_36 : vector<1280x64xf32>
    %iota3A_38 = tpu.iota {dimensions = array<i32: 0>} : vector<1280x20xi32>
    %iota3A_39 = tpu.iota {dimensions = array<i32: 1>} : vector<1280x20xi32>
    %jit3A_40 = arith.constant 20 : i32
    %eq3A_41 = arith.constant 0 : i32
    %eq3A_42 = arith.cmpi eq, %jit3A_40, %eq3A_41 : i32
    %jit3A_43 = arith.constant 1 : i32
    %select_n3A_44 = arith.select %eq3A_42, %jit3A_43, %jit3A_40 : i32
    %rem3A_45 = vector.broadcast %select_n3A_44 : i32 to vector<1280x20xi32>
    %rem3A_46 = arith.remsi %iota3A_38, %rem3A_45 : vector<1280x20xi32>
    %ne3A_47 = arith.constant 0 : i32
    %ne3A_48 = vector.broadcast %ne3A_47 : i32 to vector<1280x20xi32>
    %ne3A_49 = arith.cmpi ne, %rem3A_46, %ne3A_48 : vector<1280x20xi32>
    %lt3A_50 = arith.constant 0 : i32
    %lt3A_51 = vector.broadcast %lt3A_50 : i32 to vector<1280x20xi32>
    %lt3A_52 = arith.cmpi slt, %rem3A_46, %lt3A_51 : vector<1280x20xi32>
    %lt3A_53 = arith.constant 0 : i32
    %lt3A_54 = arith.cmpi slt, %select_n3A_44, %lt3A_53 : i32
    %ne3A_55 = vector.broadcast %lt3A_54 : i1 to vector<1280x20xi1>
    %ne3A_56 = vector.broadcast %ne3A_55 : vector<1280x20xi1> to vector<1280x20xi1>
    %ne3A_57 = arith.xori %lt3A_52, %ne3A_56 : vector<1280x20xi1>
    %and3A_58 = arith.andi %ne3A_57, %ne3A_49 : vector<1280x20xi1>
    %add3A = vector.broadcast %select_n3A_44 : i32 to vector<1280x20xi32>
    %add3A_59 = arith.addi %rem3A_46, %add3A : vector<1280x20xi32>
    %select_n3A_60 = arith.select %and3A_58, %add3A_59, %rem3A_46 : vector<1280x20xi1>, vector<1280x20xi32>
    %eq3A_61 = arith.cmpi eq, %select_n3A_60, %iota3A_39 : vector<1280x20xi32>
    %convert_element_type3A_62 = arith.extui %eq3A_61 : vector<1280x20xi1> to vector<1280x20xi32>
    %convert_element_type3A_63 = arith.sitofp %convert_element_type3A_62 : vector<1280x20xi32> to vector<1280x20xf32>
    %get3A = arith.constant 0 : index
    %get3A_64 = arith.constant 0 : index
    %get3A_65 = vector.load %arg11[%get3A, %get3A_64] : memref<1x172xf32, #tpu.memory_space<vmem>>, vector<1x172xf32>
    %mul3A_66 = arith.constant 0.159154937 : f32
    %mul3A_67 = vector.broadcast %mul3A_66 : f32 to vector<1x172xf32>
    %mul3A_68 = arith.mulf %get3A_65, %mul3A_67 : vector<1x172xf32>
    %round3A = math.roundeven %mul3A_68 : vector<1x172xf32>
    %mul3A_69 = arith.constant 6.250000e+00 : f32
    %mul3A_70 = vector.broadcast %mul3A_69 : f32 to vector<1x172xf32>
    %mul3A_71 = arith.mulf %round3A, %mul3A_70 : vector<1x172xf32>
    %sub3A_72 = arith.subf %get3A_65, %mul3A_71 : vector<1x172xf32>
    %mul3A_73 = arith.constant 0.0322265625 : f32
    %mul3A_74 = vector.broadcast %mul3A_73 : f32 to vector<1x172xf32>
    %mul3A_75 = arith.mulf %round3A, %mul3A_74 : vector<1x172xf32>
    %sub3A_76 = arith.subf %sub3A_72, %mul3A_75 : vector<1x172xf32>
    %mul3A_77 = arith.constant 9.46044921E-4 : f32
    %mul3A_78 = vector.broadcast %mul3A_77 : f32 to vector<1x172xf32>
    %mul3A_79 = arith.mulf %round3A, %mul3A_78 : vector<1x172xf32>
    %sub3A_80 = arith.subf %sub3A_76, %mul3A_79 : vector<1x172xf32>
    %mul3A_81 = arith.constant 1.26361847E-5 : f32
    %mul3A_82 = vector.broadcast %mul3A_81 : f32 to vector<1x172xf32>
    %mul3A_83 = arith.mulf %round3A, %mul3A_82 : vector<1x172xf32>
    %sub3A_84 = arith.subf %sub3A_80, %mul3A_83 : vector<1x172xf32>
    %mul3A_85 = arith.constant 6.35730188E-8 : f32
    %mul3A_86 = vector.broadcast %mul3A_85 : f32 to vector<1x172xf32>
    %mul3A_87 = arith.mulf %round3A, %mul3A_86 : vector<1x172xf32>
    %sub3A_88 = arith.subf %sub3A_84, %mul3A_87 : vector<1x172xf32>
    %mul3A_89 = arith.mulf %sub3A_88, %sub3A_88 : vector<1x172xf32>
    %broadcast_in_dim3A = arith.constant 1.7245092E-9 : f32
    %broadcast_in_dim3A_90 = vector.broadcast %broadcast_in_dim3A : f32 to vector<1x172xf32>
    %mul3A_91 = arith.mulf %broadcast_in_dim3A_90, %mul3A_89 : vector<1x172xf32>
    %add3A_92 = arith.constant -2.70790309E-7 : f32
    %add3A_93 = vector.broadcast %add3A_92 : f32 to vector<1x172xf32>
    %add3A_94 = arith.addf %mul3A_91, %add3A_93 : vector<1x172xf32>
    %mul3A_95 = arith.mulf %add3A_94, %mul3A_89 : vector<1x172xf32>
    %add3A_96 = arith.constant 2.47698827E-5 : f32
    %add3A_97 = vector.broadcast %add3A_96 : f32 to vector<1x172xf32>
    %add3A_98 = arith.addf %mul3A_95, %add3A_97 : vector<1x172xf32>
    %mul3A_99 = arith.mulf %add3A_98, %mul3A_89 : vector<1x172xf32>
    %add3A_100 = arith.constant -0.00138878031 : f32
    %add3A_101 = vector.broadcast %add3A_100 : f32 to vector<1x172xf32>
    %add3A_102 = arith.addf %mul3A_99, %add3A_101 : vector<1x172xf32>
    %mul3A_103 = arith.mulf %add3A_102, %mul3A_89 : vector<1x172xf32>
    %add3A_104 = arith.constant 0.0416664891 : f32
    %add3A_105 = vector.broadcast %add3A_104 : f32 to vector<1x172xf32>
    %add3A_106 = arith.addf %mul3A_103, %add3A_105 : vector<1x172xf32>
    %mul3A_107 = arith.mulf %add3A_106, %mul3A_89 : vector<1x172xf32>
    %add3A_108 = arith.constant -0.499999881 : f32
    %add3A_109 = vector.broadcast %add3A_108 : f32 to vector<1x172xf32>
    %add3A_110 = arith.addf %mul3A_107, %add3A_109 : vector<1x172xf32>
    %mul3A_111 = arith.mulf %add3A_110, %mul3A_89 : vector<1x172xf32>
    %add3A_112 = arith.constant 1.000000e+00 : f32
    %add3A_113 = vector.broadcast %add3A_112 : f32 to vector<1x172xf32>
    %add3A_114 = arith.addf %mul3A_111, %add3A_113 : vector<1x172xf32>
    %get3A_115 = arith.constant 0 : index
    %get3A_116 = arith.constant 0 : index
    %get3A_117 = vector.load %arg13[%get3A_115, %get3A_116] : memref<172x172xf32, #tpu.memory_space<vmem>>, vector<172x172xf32>
    %dot_general3A = arith.constant dense<0.000000e+00> : vector<1x172xf32>
    %dot_general3A_118 = tpu.matmul %add3A_114, %get3A_117, %dot_general3A {dimension_numbers = #tpu.dot_dimension_numbers<[1], [0], [0], [1], [0, 0, 1, 1], [], []>, transpose_lhs_hint = false} : vector<1x172xf32>, vector<172x172xf32>, vector<1x172xf32> -> vector<1x172xf32>
    %get3A_119 = arith.constant 0 : index
    %get3A_120 = arith.constant 0 : index
    %get3A_121 = vector.load %arg4[%get3A_119, %get3A_120] : memref<64x256xf32, #tpu.memory_space<vmem>>, vector<64x256xf32>
    %get3A_122 = arith.constant 0 : index
    %get3A_123 = arith.constant 0 : index
    %get3A_124 = vector.load %arg12[%get3A_122, %get3A_123] : memref<256x172xf32, #tpu.memory_space<vmem>>, vector<256x172xf32>
    %dot_general3A_125 = arith.constant dense<0.000000e+00> : vector<64x172xf32>
    %dot_general3A_126 = tpu.matmul %get3A_121, %get3A_124, %dot_general3A_125 {dimension_numbers = #tpu.dot_dimension_numbers<[1], [0], [0], [1], [0, 0, 1, 1], [], []>, transpose_lhs_hint = false} : vector<64x256xf32>, vector<256x172xf32>, vector<64x172xf32> -> vector<64x172xf32>
    %add3A_127 = vector.broadcast %dot_general3A_118 : vector<1x172xf32> to vector<64x172xf32>
    %add3A_128 = arith.addf %dot_general3A_126, %add3A_127 : vector<64x172xf32>
    %get3A_129 = arith.constant 0 : index
    %get3A_130 = arith.constant 0 : index
    %get3A_131 = vector.load %arg1[%get3A_129, %get3A_130] : memref<64x1xf32, #tpu.memory_space<vmem>>, vector<64x1xf32>
    %get3A_132 = arith.constant 0 : index
    %get3A_133 = arith.constant 0 : index
    %get3A_134 = vector.load %arg2[%get3A_132, %get3A_133] : memref<64x20xf32, #tpu.memory_space<vmem>>, vector<64x20xf32>
    %sub3A_135 = vector.broadcast %get3A_131 : vector<64x1xf32> to vector<64x20xf32>
    %sub3A_136 = arith.subf %sub3A_135, %get3A_134 : vector<64x20xf32>
    %dot_general3A_137 = arith.constant dense<0.000000e+00> : vector<1280x20xf32>
    %dot_general3A_138 = tpu.matmul %convert_element_type3A_32, %sub3A_136, %dot_general3A_137 {dimension_numbers = #tpu.dot_dimension_numbers<[1], [0], [0], [1], [0, 0, 1, 1], [], []>, precision = #tpu.contract_precision<fp32>, transpose_lhs_hint = false} : vector<1280x64xf32>, vector<64x20xf32>, vector<1280x20xf32> -> vector<1280x20xf32>
    %mul3A_139 = arith.mulf %dot_general3A_138, %convert_element_type3A_63 : vector<1280x20xf32>
    %reduce_sum3A = arith.constant dense<0.000000e+00> : vector<1280xf32>
    %reduce_sum3A_140 = vector.multi_reduction <add>, %mul3A_139, %reduce_sum3A [1] : vector<1280x20xf32> to vector<1280xf32>
    %broadcast_in_dim3A_141 = vector.shape_cast %reduce_sum3A_140 : vector<1280xf32> to vector<1280x1xf32>
    %get3A_142 = arith.constant 0 : index
    %get3A_143 = arith.constant 0 : index
    %get3A_144 = vector.load %arg10[%get3A_142, %get3A_143] : memref<1x172xf32, #tpu.memory_space<vmem>>, vector<1x172xf32>
    %mul3A_145 = vector.broadcast %broadcast_in_dim3A_141 : vector<1280x1xf32> to vector<1280x172xf32>
    %mul3A_146 = vector.broadcast %get3A_144 : vector<1x172xf32> to vector<1280x172xf32>
    %mul3A_147 = arith.mulf %mul3A_145, %mul3A_146 : vector<1280x172xf32>
    %get3A_148 = arith.constant 0 : index
    %get3A_149 = arith.constant 0 : index
    %get3A_150 = vector.load %arg11[%get3A_148, %get3A_149] : memref<1x172xf32, #tpu.memory_space<vmem>>, vector<1x172xf32>
    %add3A_151 = vector.broadcast %get3A_150 : vector<1x172xf32> to vector<1280x172xf32>
    %add3A_152 = arith.addf %mul3A_147, %add3A_151 : vector<1280x172xf32>
    %mul3A_153 = arith.constant 0.159154937 : f32
    %mul3A_154 = vector.broadcast %mul3A_153 : f32 to vector<1280x172xf32>
    %mul3A_155 = arith.mulf %add3A_152, %mul3A_154 : vector<1280x172xf32>
    %round3A_156 = math.roundeven %mul3A_155 : vector<1280x172xf32>
    %mul3A_157 = arith.constant 6.250000e+00 : f32
    %mul3A_158 = vector.broadcast %mul3A_157 : f32 to vector<1280x172xf32>
    %mul3A_159 = arith.mulf %round3A_156, %mul3A_158 : vector<1280x172xf32>
    %sub3A_160 = arith.subf %add3A_152, %mul3A_159 : vector<1280x172xf32>
    %mul3A_161 = arith.constant 0.0322265625 : f32
    %mul3A_162 = vector.broadcast %mul3A_161 : f32 to vector<1280x172xf32>
    %mul3A_163 = arith.mulf %round3A_156, %mul3A_162 : vector<1280x172xf32>
    %sub3A_164 = arith.subf %sub3A_160, %mul3A_163 : vector<1280x172xf32>
    %mul3A_165 = arith.constant 9.46044921E-4 : f32
    %mul3A_166 = vector.broadcast %mul3A_165 : f32 to vector<1280x172xf32>
    %mul3A_167 = arith.mulf %round3A_156, %mul3A_166 : vector<1280x172xf32>
    %sub3A_168 = arith.subf %sub3A_164, %mul3A_167 : vector<1280x172xf32>
    %mul3A_169 = arith.constant 1.26361847E-5 : f32
    %mul3A_170 = vector.broadcast %mul3A_169 : f32 to vector<1280x172xf32>
    %mul3A_171 = arith.mulf %round3A_156, %mul3A_170 : vector<1280x172xf32>
    %sub3A_172 = arith.subf %sub3A_168, %mul3A_171 : vector<1280x172xf32>
    %mul3A_173 = arith.constant 6.35730188E-8 : f32
    %mul3A_174 = vector.broadcast %mul3A_173 : f32 to vector<1280x172xf32>
    %mul3A_175 = arith.mulf %round3A_156, %mul3A_174 : vector<1280x172xf32>
    %sub3A_176 = arith.subf %sub3A_172, %mul3A_175 : vector<1280x172xf32>
    %mul3A_177 = arith.mulf %sub3A_176, %sub3A_176 : vector<1280x172xf32>
    %broadcast_in_dim3A_178 = arith.constant 1.7245092E-9 : f32
    %broadcast_in_dim3A_179 = vector.broadcast %broadcast_in_dim3A_178 : f32 to vector<1280x172xf32>
    %mul3A_180 = arith.mulf %broadcast_in_dim3A_179, %mul3A_177 : vector<1280x172xf32>
    %add3A_181 = arith.constant -2.70790309E-7 : f32
    %add3A_182 = vector.broadcast %add3A_181 : f32 to vector<1280x172xf32>
    %add3A_183 = arith.addf %mul3A_180, %add3A_182 : vector<1280x172xf32>
    %mul3A_184 = arith.mulf %add3A_183, %mul3A_177 : vector<1280x172xf32>
    %add3A_185 = arith.constant 2.47698827E-5 : f32
    %add3A_186 = vector.broadcast %add3A_185 : f32 to vector<1280x172xf32>
    %add3A_187 = arith.addf %mul3A_184, %add3A_186 : vector<1280x172xf32>
    %mul3A_188 = arith.mulf %add3A_187, %mul3A_177 : vector<1280x172xf32>
    %add3A_189 = arith.constant -0.00138878031 : f32
    %add3A_190 = vector.broadcast %add3A_189 : f32 to vector<1280x172xf32>
    %add3A_191 = arith.addf %mul3A_188, %add3A_190 : vector<1280x172xf32>
    %mul3A_192 = arith.mulf %add3A_191, %mul3A_177 : vector<1280x172xf32>
    %add3A_193 = arith.constant 0.0416664891 : f32
    %add3A_194 = vector.broadcast %add3A_193 : f32 to vector<1280x172xf32>
    %add3A_195 = arith.addf %mul3A_192, %add3A_194 : vector<1280x172xf32>
    %mul3A_196 = arith.mulf %add3A_195, %mul3A_177 : vector<1280x172xf32>
    %add3A_197 = arith.constant -0.499999881 : f32
    %add3A_198 = vector.broadcast %add3A_197 : f32 to vector<1280x172xf32>
    %add3A_199 = arith.addf %mul3A_196, %add3A_198 : vector<1280x172xf32>
    %mul3A_200 = arith.mulf %add3A_199, %mul3A_177 : vector<1280x172xf32>
    %add3A_201 = arith.constant 1.000000e+00 : f32
    %add3A_202 = vector.broadcast %add3A_201 : f32 to vector<1280x172xf32>
    %add3A_203 = arith.addf %mul3A_200, %add3A_202 : vector<1280x172xf32>
    %convert_element_type3A_204 = arith.truncf %add3A_203 : vector<1280x172xf32> to vector<1280x172xbf16>
    %get3A_205 = arith.constant 0 : index
    %get3A_206 = arith.constant 0 : index
    %get3A_207 = vector.load %arg6[%get3A_205, %get3A_206] : memref<1280x256xf32, #tpu.memory_space<vmem>>, vector<1280x256xf32>
    %convert_element_type3A_208 = arith.truncf %get3A_207 : vector<1280x256xf32> to vector<1280x256xbf16>
    %get3A_209 = arith.constant 0 : index
    %get3A_210 = arith.constant 0 : index
    %get3A_211 = vector.load %arg8[%get3A_209, %get3A_210] : memref<1280x256xf32, #tpu.memory_space<vmem>>, vector<1280x256xf32>
    %convert_element_type3A_212 = arith.truncf %get3A_211 : vector<1280x256xf32> to vector<1280x256xbf16>
    %get3A_213 = arith.constant 0 : index
    %get3A_214 = arith.constant 0 : index
    %get3A_215 = vector.load %arg14[%get3A_213, %get3A_214] : memref<256x172xbf16, #tpu.memory_space<vmem>>, vector<256x172xbf16>
    %dot_general3A_216 = arith.constant dense<0.000000e+00> : vector<1280x172xf32>
    %dot_general3A_217 = tpu.matmul %convert_element_type3A_208, %get3A_215, %dot_general3A_216 {dimension_numbers = #tpu.dot_dimension_numbers<[1], [0], [0], [1], [0, 0, 1, 1], [], []>, transpose_lhs_hint = false} : vector<1280x256xbf16>, vector<256x172xbf16>, vector<1280x172xf32> -> vector<1280x172xf32>
    %get3A_218 = arith.constant 0 : index
    %get3A_219 = arith.constant 0 : index
    %get3A_220 = vector.load %arg15[%get3A_218, %get3A_219] : memref<256x172xbf16, #tpu.memory_space<vmem>>, vector<256x172xbf16>
    %dot_general3A_221 = arith.constant dense<0.000000e+00> : vector<1280x172xf32>
    %dot_general3A_222 = tpu.matmul %convert_element_type3A_212, %get3A_220, %dot_general3A_221 {dimension_numbers = #tpu.dot_dimension_numbers<[1], [0], [0], [1], [0, 0, 1, 1], [], []>, transpose_lhs_hint = false} : vector<1280x256xbf16>, vector<256x172xbf16>, vector<1280x172xf32> -> vector<1280x172xf32>
    %add3A_223 = arith.addf %dot_general3A_217, %dot_general3A_222 : vector<1280x172xf32>
    %get3A_224 = arith.constant 0 : index
    %get3A_225 = arith.constant 0 : index
    %get3A_226 = vector.load %arg16[%get3A_224, %get3A_225] : memref<172x172xbf16, #tpu.memory_space<vmem>>, vector<172x172xbf16>
    %dot_general3A_227 = arith.constant dense<0.000000e+00> : vector<1280x172xf32>
    %dot_general3A_228 = tpu.matmul %convert_element_type3A_204, %get3A_226, %dot_general3A_227 {dimension_numbers = #tpu.dot_dimension_numbers<[1], [0], [0], [1], [0, 0, 1, 1], [], []>, transpose_lhs_hint = false} : vector<1280x172xbf16>, vector<172x172xbf16>, vector<1280x172xf32> -> vector<1280x172xf32>
    %add3A_229 = arith.addf %add3A_223, %dot_general3A_228 : vector<1280x172xf32>
    %get3A_230 = arith.constant 0 : index
    %get3A_231 = arith.constant 0 : index
    %get3A_232 = vector.load %arg17[%get3A_230, %get3A_231] : memref<256x172xbf16, #tpu.memory_space<vmem>>, vector<256x172xbf16>
    %dot_general3A_233 = arith.constant dense<0.000000e+00> : vector<1280x172xf32>
    %dot_general3A_234 = tpu.matmul %convert_element_type3A_208, %get3A_232, %dot_general3A_233 {dimension_numbers = #tpu.dot_dimension_numbers<[1], [0], [0], [1], [0, 0, 1, 1], [], []>, transpose_lhs_hint = false} : vector<1280x256xbf16>, vector<256x172xbf16>, vector<1280x172xf32> -> vector<1280x172xf32>
    %get3A_235 = arith.constant 0 : index
    %get3A_236 = arith.constant 0 : index
    %get3A_237 = vector.load %arg18[%get3A_235, %get3A_236] : memref<256x172xbf16, #tpu.memory_space<vmem>>, vector<256x172xbf16>
    %dot_general3A_238 = arith.constant dense<0.000000e+00> : vector<1280x172xf32>
    %dot_general3A_239 = tpu.matmul %convert_element_type3A_212, %get3A_237, %dot_general3A_238 {dimension_numbers = #tpu.dot_dimension_numbers<[1], [0], [0], [1], [0, 0, 1, 1], [], []>, transpose_lhs_hint = false} : vector<1280x256xbf16>, vector<256x172xbf16>, vector<1280x172xf32> -> vector<1280x172xf32>
    %add3A_240 = arith.addf %dot_general3A_234, %dot_general3A_239 : vector<1280x172xf32>
    %get3A_241 = arith.constant 0 : index
    %get3A_242 = arith.constant 0 : index
    %get3A_243 = vector.load %arg19[%get3A_241, %get3A_242] : memref<172x172xbf16, #tpu.memory_space<vmem>>, vector<172x172xbf16>
    %dot_general3A_244 = arith.constant dense<0.000000e+00> : vector<1280x172xf32>
    %dot_general3A_245 = tpu.matmul %convert_element_type3A_204, %get3A_243, %dot_general3A_244 {dimension_numbers = #tpu.dot_dimension_numbers<[1], [0], [0], [1], [0, 0, 1, 1], [], []>, transpose_lhs_hint = false} : vector<1280x172xbf16>, vector<172x172xbf16>, vector<1280x172xf32> -> vector<1280x172xf32>
    %add3A_246 = arith.addf %add3A_240, %dot_general3A_245 : vector<1280x172xf32>
    %mul3A_247 = arith.constant 0.107832775 : f32
    %mul3A_248 = vector.broadcast %mul3A_247 : f32 to vector<1x172xf32>
    %mul3A_249 = arith.mulf %convert_element_type3A_2, %mul3A_248 : vector<1x172xf32>
    %mul3A_250 = vector.broadcast %mul3A_249 : vector<1x172xf32> to vector<64x172xf32>
    %mul3A_251 = arith.mulf %add3A_128, %mul3A_250 : vector<64x172xf32>
    %dot_general3A_252 = arith.constant dense<0.000000e+00> : vector<1280x64xf32>
    %dot_general3A_253 = tpu.matmul %add3A_229, %mul3A_251, %dot_general3A_252 {dimension_numbers = #tpu.dot_dimension_numbers<[1], [1], [0], [0], [0, 0, 1, 0], [], []>, transpose_lhs_hint = false} : vector<1280x172xf32>, vector<64x172xf32>, vector<1280x64xf32> -> vector<1280x64xf32>
    %add3A_254 = arith.addf %dot_general3A_253, %mul3A_37 : vector<1280x64xf32>
    %reduce_max3A = arith.constant dense<0xFF800000> : vector<64xf32>
    %reduce_max3A_255 = vector.multi_reduction <maximumf>, %add3A_254, %reduce_max3A [0] : vector<1280x64xf32> to vector<64xf32>
    %broadcast_in_dim3A_256 = vector.shape_cast %reduce_max3A_255 : vector<64xf32> to vector<1x64xf32>
    %sub3A_257 = vector.broadcast %broadcast_in_dim3A_256 : vector<1x64xf32> to vector<1280x64xf32>
    %sub3A_258 = arith.subf %add3A_254, %sub3A_257 : vector<1280x64xf32>
    %exp3A = math.exp %sub3A_258 : vector<1280x64xf32>
    %reduce_sum3A_259 = arith.constant dense<0.000000e+00> : vector<64xf32>
    %reduce_sum3A_260 = vector.multi_reduction <add>, %exp3A, %reduce_sum3A_259 [0] : vector<1280x64xf32> to vector<64xf32>
    %broadcast_in_dim3A_261 = vector.shape_cast %reduce_sum3A_260 : vector<64xf32> to vector<1x64xf32>
    %div3A_262 = arith.constant 1.000000e+00 : f32
    %div3A_263 = vector.broadcast %div3A_262 : f32 to vector<1x64xf32>
    %div3A_264 = arith.divf %div3A_263, %broadcast_in_dim3A_261 : vector<1x64xf32>
    %mul3A_265 = vector.broadcast %div3A_264 : vector<1x64xf32> to vector<1280x64xf32>
    %mul3A_266 = arith.mulf %exp3A, %mul3A_265 : vector<1280x64xf32>
    %dot_general3A_267 = arith.constant dense<0.000000e+00> : vector<64x172xf32>
    %dot_general3A_268 = tpu.matmul %mul3A_266, %add3A_246, %dot_general3A_267 {dimension_numbers = #tpu.dot_dimension_numbers<[0], [0], [1], [1], [0, 1, 1, 1], [], []>, transpose_lhs_hint = false} : vector<1280x64xf32>, vector<1280x172xf32>, vector<64x172xf32> -> vector<64x172xf32>
    %mul3A_269 = vector.broadcast %convert_element_type3A_2 : vector<1x172xf32> to vector<64x172xf32>
    %mul3A_270 = arith.mulf %dot_general3A_268, %mul3A_269 : vector<64x172xf32>
    %mul3A_271 = arith.constant 0.107832775 : f32
    %mul3A_272 = vector.broadcast %mul3A_271 : f32 to vector<1x172xf32>
    %mul3A_273 = arith.mulf %sub3A_4, %mul3A_272 : vector<1x172xf32>
    %mul3A_274 = vector.broadcast %mul3A_273 : vector<1x172xf32> to vector<64x172xf32>
    %mul3A_275 = arith.mulf %add3A_128, %mul3A_274 : vector<64x172xf32>
    %dot_general3A_276 = arith.constant dense<0.000000e+00> : vector<1280x64xf32>
    %dot_general3A_277 = tpu.matmul %add3A_229, %mul3A_275, %dot_general3A_276 {dimension_numbers = #tpu.dot_dimension_numbers<[1], [1], [0], [0], [0, 0, 1, 0], [], []>, transpose_lhs_hint = false} : vector<1280x172xf32>, vector<64x172xf32>, vector<1280x64xf32> -> vector<1280x64xf32>
    %add3A_278 = arith.addf %dot_general3A_277, %mul3A_37 : vector<1280x64xf32>
    %reduce_max3A_279 = arith.constant dense<0xFF800000> : vector<64xf32>
    %reduce_max3A_280 = vector.multi_reduction <maximumf>, %add3A_278, %reduce_max3A_279 [0] : vector<1280x64xf32> to vector<64xf32>
    %broadcast_in_dim3A_281 = vector.shape_cast %reduce_max3A_280 : vector<64xf32> to vector<1x64xf32>
    %sub3A_282 = vector.broadcast %broadcast_in_dim3A_281 : vector<1x64xf32> to vector<1280x64xf32>
    %sub3A_283 = arith.subf %add3A_278, %sub3A_282 : vector<1280x64xf32>
    %exp3A_284 = math.exp %sub3A_283 : vector<1280x64xf32>
    %reduce_sum3A_285 = arith.constant dense<0.000000e+00> : vector<64xf32>
    %reduce_sum3A_286 = vector.multi_reduction <add>, %exp3A_284, %reduce_sum3A_285 [0] : vector<1280x64xf32> to vector<64xf32>
    %broadcast_in_dim3A_287 = vector.shape_cast %reduce_sum3A_286 : vector<64xf32> to vector<1x64xf32>
    %div3A_288 = arith.constant 1.000000e+00 : f32
    %div3A_289 = vector.broadcast %div3A_288 : f32 to vector<1x64xf32>
    %div3A_290 = arith.divf %div3A_289, %broadcast_in_dim3A_287 : vector<1x64xf32>
    %mul3A_291 = vector.broadcast %div3A_290 : vector<1x64xf32> to vector<1280x64xf32>
    %mul3A_292 = arith.mulf %exp3A_284, %mul3A_291 : vector<1280x64xf32>
    %dot_general3A_293 = arith.constant dense<0.000000e+00> : vector<64x172xf32>
    %dot_general3A_294 = tpu.matmul %mul3A_292, %add3A_246, %dot_general3A_293 {dimension_numbers = #tpu.dot_dimension_numbers<[0], [0], [1], [1], [0, 1, 1, 1], [], []>, transpose_lhs_hint = false} : vector<1280x64xf32>, vector<1280x172xf32>, vector<64x172xf32> -> vector<64x172xf32>
    %mul3A_295 = vector.broadcast %sub3A_4 : vector<1x172xf32> to vector<64x172xf32>
    %mul3A_296 = arith.mulf %dot_general3A_294, %mul3A_295 : vector<64x172xf32>
    %add3A_297 = arith.addf %mul3A_270, %mul3A_296 : vector<64x172xf32>
    %get3A_298 = arith.constant 0 : index
    %get3A_299 = arith.constant 0 : index
    %get3A_300 = vector.load %arg20[%get3A_298, %get3A_299] : memref<172x172xf32, #tpu.memory_space<vmem>>, vector<172x172xf32>
    %dot_general3A_301 = arith.constant dense<0.000000e+00> : vector<64x172xf32>
    %dot_general3A_302 = tpu.matmul %add3A_297, %get3A_300, %dot_general3A_301 {dimension_numbers = #tpu.dot_dimension_numbers<[1], [0], [0], [1], [0, 0, 1, 1], [], []>, transpose_lhs_hint = false} : vector<64x172xf32>, vector<172x172xf32>, vector<64x172xf32> -> vector<64x172xf32>
    %get3A_303 = arith.constant 0 : index
    %get3A_304 = arith.constant 0 : index
    %get3A_305 = vector.load %arg21[%get3A_303, %get3A_304] : memref<256x172xf32, #tpu.memory_space<vmem>>, vector<256x172xf32>
    %dot_general3A_306 = arith.constant dense<0.000000e+00> : vector<64x172xf32>
    %dot_general3A_307 = tpu.matmul %get3A_121, %get3A_305, %dot_general3A_306 {dimension_numbers = #tpu.dot_dimension_numbers<[1], [0], [0], [1], [0, 0, 1, 1], [], []>, transpose_lhs_hint = false} : vector<64x256xf32>, vector<256x172xf32>, vector<64x172xf32> -> vector<64x172xf32>
    %add3A_308 = arith.addf %dot_general3A_302, %dot_general3A_307 : vector<64x172xf32>
    %get3A_309 = arith.constant 0 : index
    %get3A_310 = arith.constant 0 : index
    %get3A_311 = vector.load %arg22[%get3A_309, %get3A_310] : memref<1x172xf32, #tpu.memory_space<vmem>>, vector<1x172xf32>
    %add3A_312 = vector.broadcast %get3A_311 : vector<1x172xf32> to vector<64x172xf32>
    %add3A_313 = arith.addf %add3A_308, %add3A_312 : vector<64x172xf32>
    %max3A = arith.constant 0.000000e+00 : f32
    %max3A_314 = vector.broadcast %max3A : f32 to vector<64x172xf32>
    %max3A_315 = arith.maximumf %add3A_313, %max3A_314 : vector<64x172xf32>
    %get3A_316 = arith.constant 0 : index
    %get3A_317 = arith.constant 0 : index
    %get3A_318 = vector.load %arg23[%get3A_316, %get3A_317] : memref<172x172xf32, #tpu.memory_space<vmem>>, vector<172x172xf32>
    %dot_general3A_319 = arith.constant dense<0.000000e+00> : vector<64x172xf32>
    %dot_general3A_320 = tpu.matmul %max3A_315, %get3A_318, %dot_general3A_319 {dimension_numbers = #tpu.dot_dimension_numbers<[1], [0], [0], [1], [0, 0, 1, 1], [], []>, transpose_lhs_hint = false} : vector<64x172xf32>, vector<172x172xf32>, vector<64x172xf32> -> vector<64x172xf32>
    %get3A_321 = arith.constant 0 : index
    %get3A_322 = arith.constant 0 : index
    %get3A_323 = vector.load %arg24[%get3A_321, %get3A_322] : memref<1x172xf32, #tpu.memory_space<vmem>>, vector<1x172xf32>
    %add3A_324 = vector.broadcast %get3A_323 : vector<1x172xf32> to vector<64x172xf32>
    %add3A_325 = arith.addf %dot_general3A_320, %add3A_324 : vector<64x172xf32>
    %get3A_326 = arith.constant 0 : index
    %get3A_327 = arith.constant 0 : index
    %get3A_328 = vector.load %arg5[%get3A_326, %get3A_327] : memref<64x256xf32, #tpu.memory_space<vmem>>, vector<64x256xf32>
    %get3A_329 = arith.constant 0 : index
    %get3A_330 = arith.constant 0 : index
    %get3A_331 = vector.load %arg12[%get3A_329, %get3A_330] : memref<256x172xf32, #tpu.memory_space<vmem>>, vector<256x172xf32>
    %dot_general3A_332 = arith.constant dense<0.000000e+00> : vector<64x172xf32>
    %dot_general3A_333 = tpu.matmul %get3A_328, %get3A_331, %dot_general3A_332 {dimension_numbers = #tpu.dot_dimension_numbers<[1], [0], [0], [1], [0, 0, 1, 1], [], []>, transpose_lhs_hint = false} : vector<64x256xf32>, vector<256x172xf32>, vector<64x172xf32> -> vector<64x172xf32>
    %add3A_334 = vector.broadcast %dot_general3A_118 : vector<1x172xf32> to vector<64x172xf32>
    %add3A_335 = arith.addf %dot_general3A_333, %add3A_334 : vector<64x172xf32>
    %get3A_336 = arith.constant 0 : index
    %get3A_337 = arith.constant 0 : index
    %get3A_338 = vector.load %arg1[%get3A_336, %get3A_337] : memref<64x1xf32, #tpu.memory_space<vmem>>, vector<64x1xf32>
    %get3A_339 = arith.constant 0 : index
    %get3A_340 = arith.constant 0 : index
    %get3A_341 = vector.load %arg3[%get3A_339, %get3A_340] : memref<64x20xf32, #tpu.memory_space<vmem>>, vector<64x20xf32>
    %sub3A_342 = vector.broadcast %get3A_338 : vector<64x1xf32> to vector<64x20xf32>
    %sub3A_343 = arith.subf %sub3A_342, %get3A_341 : vector<64x20xf32>
    %dot_general3A_344 = arith.constant dense<0.000000e+00> : vector<1280x20xf32>
    %dot_general3A_345 = tpu.matmul %convert_element_type3A_32, %sub3A_343, %dot_general3A_344 {dimension_numbers = #tpu.dot_dimension_numbers<[1], [0], [0], [1], [0, 0, 1, 1], [], []>, precision = #tpu.contract_precision<fp32>, transpose_lhs_hint = false} : vector<1280x64xf32>, vector<64x20xf32>, vector<1280x20xf32> -> vector<1280x20xf32>
    %mul3A_346 = arith.mulf %dot_general3A_345, %convert_element_type3A_63 : vector<1280x20xf32>
    %reduce_sum3A_347 = arith.constant dense<0.000000e+00> : vector<1280xf32>
    %reduce_sum3A_348 = vector.multi_reduction <add>, %mul3A_346, %reduce_sum3A_347 [1] : vector<1280x20xf32> to vector<1280xf32>
    %broadcast_in_dim3A_349 = vector.shape_cast %reduce_sum3A_348 : vector<1280xf32> to vector<1280x1xf32>
    %get3A_350 = arith.constant 0 : index
    %get3A_351 = arith.constant 0 : index
    %get3A_352 = vector.load %arg10[%get3A_350, %get3A_351] : memref<1x172xf32, #tpu.memory_space<vmem>>, vector<1x172xf32>
    %mul3A_353 = vector.broadcast %broadcast_in_dim3A_349 : vector<1280x1xf32> to vector<1280x172xf32>
    %mul3A_354 = vector.broadcast %get3A_352 : vector<1x172xf32> to vector<1280x172xf32>
    %mul3A_355 = arith.mulf %mul3A_353, %mul3A_354 : vector<1280x172xf32>
    %get3A_356 = arith.constant 0 : index
    %get3A_357 = arith.constant 0 : index
    %get3A_358 = vector.load %arg11[%get3A_356, %get3A_357] : memref<1x172xf32, #tpu.memory_space<vmem>>, vector<1x172xf32>
    %add3A_359 = vector.broadcast %get3A_358 : vector<1x172xf32> to vector<1280x172xf32>
    %add3A_360 = arith.addf %mul3A_355, %add3A_359 : vector<1280x172xf32>
    %mul3A_361 = arith.constant 0.159154937 : f32
    %mul3A_362 = vector.broadcast %mul3A_361 : f32 to vector<1280x172xf32>
    %mul3A_363 = arith.mulf %add3A_360, %mul3A_362 : vector<1280x172xf32>
    %round3A_364 = math.roundeven %mul3A_363 : vector<1280x172xf32>
    %mul3A_365 = arith.constant 6.250000e+00 : f32
    %mul3A_366 = vector.broadcast %mul3A_365 : f32 to vector<1280x172xf32>
    %mul3A_367 = arith.mulf %round3A_364, %mul3A_366 : vector<1280x172xf32>
    %sub3A_368 = arith.subf %add3A_360, %mul3A_367 : vector<1280x172xf32>
    %mul3A_369 = arith.constant 0.0322265625 : f32
    %mul3A_370 = vector.broadcast %mul3A_369 : f32 to vector<1280x172xf32>
    %mul3A_371 = arith.mulf %round3A_364, %mul3A_370 : vector<1280x172xf32>
    %sub3A_372 = arith.subf %sub3A_368, %mul3A_371 : vector<1280x172xf32>
    %mul3A_373 = arith.constant 9.46044921E-4 : f32
    %mul3A_374 = vector.broadcast %mul3A_373 : f32 to vector<1280x172xf32>
    %mul3A_375 = arith.mulf %round3A_364, %mul3A_374 : vector<1280x172xf32>
    %sub3A_376 = arith.subf %sub3A_372, %mul3A_375 : vector<1280x172xf32>
    %mul3A_377 = arith.constant 1.26361847E-5 : f32
    %mul3A_378 = vector.broadcast %mul3A_377 : f32 to vector<1280x172xf32>
    %mul3A_379 = arith.mulf %round3A_364, %mul3A_378 : vector<1280x172xf32>
    %sub3A_380 = arith.subf %sub3A_376, %mul3A_379 : vector<1280x172xf32>
    %mul3A_381 = arith.constant 6.35730188E-8 : f32
    %mul3A_382 = vector.broadcast %mul3A_381 : f32 to vector<1280x172xf32>
    %mul3A_383 = arith.mulf %round3A_364, %mul3A_382 : vector<1280x172xf32>
    %sub3A_384 = arith.subf %sub3A_380, %mul3A_383 : vector<1280x172xf32>
    %mul3A_385 = arith.mulf %sub3A_384, %sub3A_384 : vector<1280x172xf32>
    %broadcast_in_dim3A_386 = arith.constant 1.7245092E-9 : f32
    %broadcast_in_dim3A_387 = vector.broadcast %broadcast_in_dim3A_386 : f32 to vector<1280x172xf32>
    %mul3A_388 = arith.mulf %broadcast_in_dim3A_387, %mul3A_385 : vector<1280x172xf32>
    %add3A_389 = arith.constant -2.70790309E-7 : f32
    %add3A_390 = vector.broadcast %add3A_389 : f32 to vector<1280x172xf32>
    %add3A_391 = arith.addf %mul3A_388, %add3A_390 : vector<1280x172xf32>
    %mul3A_392 = arith.mulf %add3A_391, %mul3A_385 : vector<1280x172xf32>
    %add3A_393 = arith.constant 2.47698827E-5 : f32
    %add3A_394 = vector.broadcast %add3A_393 : f32 to vector<1280x172xf32>
    %add3A_395 = arith.addf %mul3A_392, %add3A_394 : vector<1280x172xf32>
    %mul3A_396 = arith.mulf %add3A_395, %mul3A_385 : vector<1280x172xf32>
    %add3A_397 = arith.constant -0.00138878031 : f32
    %add3A_398 = vector.broadcast %add3A_397 : f32 to vector<1280x172xf32>
    %add3A_399 = arith.addf %mul3A_396, %add3A_398 : vector<1280x172xf32>
    %mul3A_400 = arith.mulf %add3A_399, %mul3A_385 : vector<1280x172xf32>
    %add3A_401 = arith.constant 0.0416664891 : f32
    %add3A_402 = vector.broadcast %add3A_401 : f32 to vector<1280x172xf32>
    %add3A_403 = arith.addf %mul3A_400, %add3A_402 : vector<1280x172xf32>
    %mul3A_404 = arith.mulf %add3A_403, %mul3A_385 : vector<1280x172xf32>
    %add3A_405 = arith.constant -0.499999881 : f32
    %add3A_406 = vector.broadcast %add3A_405 : f32 to vector<1280x172xf32>
    %add3A_407 = arith.addf %mul3A_404, %add3A_406 : vector<1280x172xf32>
    %mul3A_408 = arith.mulf %add3A_407, %mul3A_385 : vector<1280x172xf32>
    %add3A_409 = arith.constant 1.000000e+00 : f32
    %add3A_410 = vector.broadcast %add3A_409 : f32 to vector<1280x172xf32>
    %add3A_411 = arith.addf %mul3A_408, %add3A_410 : vector<1280x172xf32>
    %convert_element_type3A_412 = arith.truncf %add3A_411 : vector<1280x172xf32> to vector<1280x172xbf16>
    %get3A_413 = arith.constant 0 : index
    %get3A_414 = arith.constant 0 : index
    %get3A_415 = vector.load %arg7[%get3A_413, %get3A_414] : memref<1280x256xf32, #tpu.memory_space<vmem>>, vector<1280x256xf32>
    %convert_element_type3A_416 = arith.truncf %get3A_415 : vector<1280x256xf32> to vector<1280x256xbf16>
    %get3A_417 = arith.constant 0 : index
    %get3A_418 = arith.constant 0 : index
    %get3A_419 = vector.load %arg9[%get3A_417, %get3A_418] : memref<1280x256xf32, #tpu.memory_space<vmem>>, vector<1280x256xf32>
    %convert_element_type3A_420 = arith.truncf %get3A_419 : vector<1280x256xf32> to vector<1280x256xbf16>
    %get3A_421 = arith.constant 0 : index
    %get3A_422 = arith.constant 0 : index
    %get3A_423 = vector.load %arg14[%get3A_421, %get3A_422] : memref<256x172xbf16, #tpu.memory_space<vmem>>, vector<256x172xbf16>
    %dot_general3A_424 = arith.constant dense<0.000000e+00> : vector<1280x172xf32>
    %dot_general3A_425 = tpu.matmul %convert_element_type3A_416, %get3A_423, %dot_general3A_424 {dimension_numbers = #tpu.dot_dimension_numbers<[1], [0], [0], [1], [0, 0, 1, 1], [], []>, transpose_lhs_hint = false} : vector<1280x256xbf16>, vector<256x172xbf16>, vector<1280x172xf32> -> vector<1280x172xf32>
    %get3A_426 = arith.constant 0 : index
    %get3A_427 = arith.constant 0 : index
    %get3A_428 = vector.load %arg15[%get3A_426, %get3A_427] : memref<256x172xbf16, #tpu.memory_space<vmem>>, vector<256x172xbf16>
    %dot_general3A_429 = arith.constant dense<0.000000e+00> : vector<1280x172xf32>
    %dot_general3A_430 = tpu.matmul %convert_element_type3A_420, %get3A_428, %dot_general3A_429 {dimension_numbers = #tpu.dot_dimension_numbers<[1], [0], [0], [1], [0, 0, 1, 1], [], []>, transpose_lhs_hint = false} : vector<1280x256xbf16>, vector<256x172xbf16>, vector<1280x172xf32> -> vector<1280x172xf32>
    %add3A_431 = arith.addf %dot_general3A_425, %dot_general3A_430 : vector<1280x172xf32>
    %get3A_432 = arith.constant 0 : index
    %get3A_433 = arith.constant 0 : index
    %get3A_434 = vector.load %arg16[%get3A_432, %get3A_433] : memref<172x172xbf16, #tpu.memory_space<vmem>>, vector<172x172xbf16>
    %dot_general3A_435 = arith.constant dense<0.000000e+00> : vector<1280x172xf32>
    %dot_general3A_436 = tpu.matmul %convert_element_type3A_412, %get3A_434, %dot_general3A_435 {dimension_numbers = #tpu.dot_dimension_numbers<[1], [0], [0], [1], [0, 0, 1, 1], [], []>, transpose_lhs_hint = false} : vector<1280x172xbf16>, vector<172x172xbf16>, vector<1280x172xf32> -> vector<1280x172xf32>
    %add3A_437 = arith.addf %add3A_431, %dot_general3A_436 : vector<1280x172xf32>
    %get3A_438 = arith.constant 0 : index
    %get3A_439 = arith.constant 0 : index
    %get3A_440 = vector.load %arg17[%get3A_438, %get3A_439] : memref<256x172xbf16, #tpu.memory_space<vmem>>, vector<256x172xbf16>
    %dot_general3A_441 = arith.constant dense<0.000000e+00> : vector<1280x172xf32>
    %dot_general3A_442 = tpu.matmul %convert_element_type3A_416, %get3A_440, %dot_general3A_441 {dimension_numbers = #tpu.dot_dimension_numbers<[1], [0], [0], [1], [0, 0, 1, 1], [], []>, transpose_lhs_hint = false} : vector<1280x256xbf16>, vector<256x172xbf16>, vector<1280x172xf32> -> vector<1280x172xf32>
    %get3A_443 = arith.constant 0 : index
    %get3A_444 = arith.constant 0 : index
    %get3A_445 = vector.load %arg18[%get3A_443, %get3A_444] : memref<256x172xbf16, #tpu.memory_space<vmem>>, vector<256x172xbf16>
    %dot_general3A_446 = arith.constant dense<0.000000e+00> : vector<1280x172xf32>
    %dot_general3A_447 = tpu.matmul %convert_element_type3A_420, %get3A_445, %dot_general3A_446 {dimension_numbers = #tpu.dot_dimension_numbers<[1], [0], [0], [1], [0, 0, 1, 1], [], []>, transpose_lhs_hint = false} : vector<1280x256xbf16>, vector<256x172xbf16>, vector<1280x172xf32> -> vector<1280x172xf32>
    %add3A_448 = arith.addf %dot_general3A_442, %dot_general3A_447 : vector<1280x172xf32>
    %get3A_449 = arith.constant 0 : index
    %get3A_450 = arith.constant 0 : index
    %get3A_451 = vector.load %arg19[%get3A_449, %get3A_450] : memref<172x172xbf16, #tpu.memory_space<vmem>>, vector<172x172xbf16>
    %dot_general3A_452 = arith.constant dense<0.000000e+00> : vector<1280x172xf32>
    %dot_general3A_453 = tpu.matmul %convert_element_type3A_412, %get3A_451, %dot_general3A_452 {dimension_numbers = #tpu.dot_dimension_numbers<[1], [0], [0], [1], [0, 0, 1, 1], [], []>, transpose_lhs_hint = false} : vector<1280x172xbf16>, vector<172x172xbf16>, vector<1280x172xf32> -> vector<1280x172xf32>
    %add3A_454 = arith.addf %add3A_448, %dot_general3A_453 : vector<1280x172xf32>
    %mul3A_455 = arith.constant 0.107832775 : f32
    %mul3A_456 = vector.broadcast %mul3A_455 : f32 to vector<1x172xf32>
    %mul3A_457 = arith.mulf %convert_element_type3A_2, %mul3A_456 : vector<1x172xf32>
    %mul3A_458 = vector.broadcast %mul3A_457 : vector<1x172xf32> to vector<64x172xf32>
    %mul3A_459 = arith.mulf %add3A_335, %mul3A_458 : vector<64x172xf32>
    %dot_general3A_460 = arith.constant dense<0.000000e+00> : vector<1280x64xf32>
    %dot_general3A_461 = tpu.matmul %add3A_437, %mul3A_459, %dot_general3A_460 {dimension_numbers = #tpu.dot_dimension_numbers<[1], [1], [0], [0], [0, 0, 1, 0], [], []>, transpose_lhs_hint = false} : vector<1280x172xf32>, vector<64x172xf32>, vector<1280x64xf32> -> vector<1280x64xf32>
    %add3A_462 = arith.addf %dot_general3A_461, %mul3A_37 : vector<1280x64xf32>
    %reduce_max3A_463 = arith.constant dense<0xFF800000> : vector<64xf32>
    %reduce_max3A_464 = vector.multi_reduction <maximumf>, %add3A_462, %reduce_max3A_463 [0] : vector<1280x64xf32> to vector<64xf32>
    %broadcast_in_dim3A_465 = vector.shape_cast %reduce_max3A_464 : vector<64xf32> to vector<1x64xf32>
    %sub3A_466 = vector.broadcast %broadcast_in_dim3A_465 : vector<1x64xf32> to vector<1280x64xf32>
    %sub3A_467 = arith.subf %add3A_462, %sub3A_466 : vector<1280x64xf32>
    %exp3A_468 = math.exp %sub3A_467 : vector<1280x64xf32>
    %reduce_sum3A_469 = arith.constant dense<0.000000e+00> : vector<64xf32>
    %reduce_sum3A_470 = vector.multi_reduction <add>, %exp3A_468, %reduce_sum3A_469 [0] : vector<1280x64xf32> to vector<64xf32>
    %broadcast_in_dim3A_471 = vector.shape_cast %reduce_sum3A_470 : vector<64xf32> to vector<1x64xf32>
    %div3A_472 = arith.constant 1.000000e+00 : f32
    %div3A_473 = vector.broadcast %div3A_472 : f32 to vector<1x64xf32>
    %div3A_474 = arith.divf %div3A_473, %broadcast_in_dim3A_471 : vector<1x64xf32>
    %mul3A_475 = vector.broadcast %div3A_474 : vector<1x64xf32> to vector<1280x64xf32>
    %mul3A_476 = arith.mulf %exp3A_468, %mul3A_475 : vector<1280x64xf32>
    %dot_general3A_477 = arith.constant dense<0.000000e+00> : vector<64x172xf32>
    %dot_general3A_478 = tpu.matmul %mul3A_476, %add3A_454, %dot_general3A_477 {dimension_numbers = #tpu.dot_dimension_numbers<[0], [0], [1], [1], [0, 1, 1, 1], [], []>, transpose_lhs_hint = false} : vector<1280x64xf32>, vector<1280x172xf32>, vector<64x172xf32> -> vector<64x172xf32>
    %mul3A_479 = vector.broadcast %convert_element_type3A_2 : vector<1x172xf32> to vector<64x172xf32>
    %mul3A_480 = arith.mulf %dot_general3A_478, %mul3A_479 : vector<64x172xf32>
    %mul3A_481 = arith.constant 0.107832775 : f32
    %mul3A_482 = vector.broadcast %mul3A_481 : f32 to vector<1x172xf32>
    %mul3A_483 = arith.mulf %sub3A_4, %mul3A_482 : vector<1x172xf32>
    %mul3A_484 = vector.broadcast %mul3A_483 : vector<1x172xf32> to vector<64x172xf32>
    %mul3A_485 = arith.mulf %add3A_335, %mul3A_484 : vector<64x172xf32>
    %dot_general3A_486 = arith.constant dense<0.000000e+00> : vector<1280x64xf32>
    %dot_general3A_487 = tpu.matmul %add3A_437, %mul3A_485, %dot_general3A_486 {dimension_numbers = #tpu.dot_dimension_numbers<[1], [1], [0], [0], [0, 0, 1, 0], [], []>, transpose_lhs_hint = false} : vector<1280x172xf32>, vector<64x172xf32>, vector<1280x64xf32> -> vector<1280x64xf32>
    %add3A_488 = arith.addf %dot_general3A_487, %mul3A_37 : vector<1280x64xf32>
    %reduce_max3A_489 = arith.constant dense<0xFF800000> : vector<64xf32>
    %reduce_max3A_490 = vector.multi_reduction <maximumf>, %add3A_488, %reduce_max3A_489 [0] : vector<1280x64xf32> to vector<64xf32>
    %broadcast_in_dim3A_491 = vector.shape_cast %reduce_max3A_490 : vector<64xf32> to vector<1x64xf32>
    %sub3A_492 = vector.broadcast %broadcast_in_dim3A_491 : vector<1x64xf32> to vector<1280x64xf32>
    %sub3A_493 = arith.subf %add3A_488, %sub3A_492 : vector<1280x64xf32>
    %exp3A_494 = math.exp %sub3A_493 : vector<1280x64xf32>
    %reduce_sum3A_495 = arith.constant dense<0.000000e+00> : vector<64xf32>
    %reduce_sum3A_496 = vector.multi_reduction <add>, %exp3A_494, %reduce_sum3A_495 [0] : vector<1280x64xf32> to vector<64xf32>
    %broadcast_in_dim3A_497 = vector.shape_cast %reduce_sum3A_496 : vector<64xf32> to vector<1x64xf32>
    %div3A_498 = arith.constant 1.000000e+00 : f32
    %div3A_499 = vector.broadcast %div3A_498 : f32 to vector<1x64xf32>
    %div3A_500 = arith.divf %div3A_499, %broadcast_in_dim3A_497 : vector<1x64xf32>
    %mul3A_501 = vector.broadcast %div3A_500 : vector<1x64xf32> to vector<1280x64xf32>
    %mul3A_502 = arith.mulf %exp3A_494, %mul3A_501 : vector<1280x64xf32>
    %dot_general3A_503 = arith.constant dense<0.000000e+00> : vector<64x172xf32>
    %dot_general3A_504 = tpu.matmul %mul3A_502, %add3A_454, %dot_general3A_503 {dimension_numbers = #tpu.dot_dimension_numbers<[0], [0], [1], [1], [0, 1, 1, 1], [], []>, transpose_lhs_hint = false} : vector<1280x64xf32>, vector<1280x172xf32>, vector<64x172xf32> -> vector<64x172xf32>
    %mul3A_505 = vector.broadcast %sub3A_4 : vector<1x172xf32> to vector<64x172xf32>
    %mul3A_506 = arith.mulf %dot_general3A_504, %mul3A_505 : vector<64x172xf32>
    %add3A_507 = arith.addf %mul3A_480, %mul3A_506 : vector<64x172xf32>
    %get3A_508 = arith.constant 0 : index
    %get3A_509 = arith.constant 0 : index
    %get3A_510 = vector.load %arg20[%get3A_508, %get3A_509] : memref<172x172xf32, #tpu.memory_space<vmem>>, vector<172x172xf32>
    %dot_general3A_511 = arith.constant dense<0.000000e+00> : vector<64x172xf32>
    %dot_general3A_512 = tpu.matmul %add3A_507, %get3A_510, %dot_general3A_511 {dimension_numbers = #tpu.dot_dimension_numbers<[1], [0], [0], [1], [0, 0, 1, 1], [], []>, transpose_lhs_hint = false} : vector<64x172xf32>, vector<172x172xf32>, vector<64x172xf32> -> vector<64x172xf32>
    %get3A_513 = arith.constant 0 : index
    %get3A_514 = arith.constant 0 : index
    %get3A_515 = vector.load %arg21[%get3A_513, %get3A_514] : memref<256x172xf32, #tpu.memory_space<vmem>>, vector<256x172xf32>
    %dot_general3A_516 = arith.constant dense<0.000000e+00> : vector<64x172xf32>
    %dot_general3A_517 = tpu.matmul %get3A_328, %get3A_515, %dot_general3A_516 {dimension_numbers = #tpu.dot_dimension_numbers<[1], [0], [0], [1], [0, 0, 1, 1], [], []>, transpose_lhs_hint = false} : vector<64x256xf32>, vector<256x172xf32>, vector<64x172xf32> -> vector<64x172xf32>
    %add3A_518 = arith.addf %dot_general3A_512, %dot_general3A_517 : vector<64x172xf32>
    %get3A_519 = arith.constant 0 : index
    %get3A_520 = arith.constant 0 : index
    %get3A_521 = vector.load %arg22[%get3A_519, %get3A_520] : memref<1x172xf32, #tpu.memory_space<vmem>>, vector<1x172xf32>
    %add3A_522 = vector.broadcast %get3A_521 : vector<1x172xf32> to vector<64x172xf32>
    %add3A_523 = arith.addf %add3A_518, %add3A_522 : vector<64x172xf32>
    %max3A_524 = arith.constant 0.000000e+00 : f32
    %max3A_525 = vector.broadcast %max3A_524 : f32 to vector<64x172xf32>
    %max3A_526 = arith.maximumf %add3A_523, %max3A_525 : vector<64x172xf32>
    %get3A_527 = arith.constant 0 : index
    %get3A_528 = arith.constant 0 : index
    %get3A_529 = vector.load %arg23[%get3A_527, %get3A_528] : memref<172x172xf32, #tpu.memory_space<vmem>>, vector<172x172xf32>
    %dot_general3A_530 = arith.constant dense<0.000000e+00> : vector<64x172xf32>
    %dot_general3A_531 = tpu.matmul %max3A_526, %get3A_529, %dot_general3A_530 {dimension_numbers = #tpu.dot_dimension_numbers<[1], [0], [0], [1], [0, 0, 1, 1], [], []>, transpose_lhs_hint = false} : vector<64x172xf32>, vector<172x172xf32>, vector<64x172xf32> -> vector<64x172xf32>
    %get3A_532 = arith.constant 0 : index
    %get3A_533 = arith.constant 0 : index
    %get3A_534 = vector.load %arg24[%get3A_532, %get3A_533] : memref<1x172xf32, #tpu.memory_space<vmem>>, vector<1x172xf32>
    %add3A_535 = vector.broadcast %get3A_534 : vector<1x172xf32> to vector<64x172xf32>
    %add3A_536 = arith.addf %dot_general3A_531, %add3A_535 : vector<64x172xf32>
    %get3A_537 = arith.constant 0 : index
    %get3A_538 = arith.constant 0 : index
    %get3A_539 = vector.load %arg25[%get3A_537, %get3A_538] : memref<172x172xf32, #tpu.memory_space<vmem>>, vector<172x172xf32>
    %dot_general3A_540 = arith.constant dense<0.000000e+00> : vector<64x172xf32>
    %dot_general3A_541 = tpu.matmul %add3A_325, %get3A_539, %dot_general3A_540 {dimension_numbers = #tpu.dot_dimension_numbers<[1], [0], [0], [1], [0, 0, 1, 1], [], []>, transpose_lhs_hint = false} : vector<64x172xf32>, vector<172x172xf32>, vector<64x172xf32> -> vector<64x172xf32>
    %get3A_542 = arith.constant 0 : index
    %get3A_543 = arith.constant 0 : index
    %get3A_544 = vector.load %arg26[%get3A_542, %get3A_543] : memref<172x172xf32, #tpu.memory_space<vmem>>, vector<172x172xf32>
    %dot_general3A_545 = arith.constant dense<0.000000e+00> : vector<64x172xf32>
    %dot_general3A_546 = tpu.matmul %add3A_536, %get3A_544, %dot_general3A_545 {dimension_numbers = #tpu.dot_dimension_numbers<[1], [0], [0], [1], [0, 0, 1, 1], [], []>, transpose_lhs_hint = false} : vector<64x172xf32>, vector<172x172xf32>, vector<64x172xf32> -> vector<64x172xf32>
    %add3A_547 = arith.addf %dot_general3A_541, %dot_general3A_546 : vector<64x172xf32>
    %get3A_548 = arith.constant 0 : index
    %get3A_549 = arith.constant 0 : index
    %get3A_550 = vector.load %arg27[%get3A_548, %get3A_549] : memref<1x172xf32, #tpu.memory_space<vmem>>, vector<1x172xf32>
    %add3A_551 = vector.broadcast %get3A_550 : vector<1x172xf32> to vector<64x172xf32>
    %add3A_552 = arith.addf %add3A_547, %add3A_551 : vector<64x172xf32>
    %max3A_553 = arith.constant 0.000000e+00 : f32
    %max3A_554 = vector.broadcast %max3A_553 : f32 to vector<64x172xf32>
    %max3A_555 = arith.maximumf %add3A_552, %max3A_554 : vector<64x172xf32>
    %get3A_556 = arith.constant 0 : index
    %get3A_557 = arith.constant 0 : index
    %get3A_558 = vector.load %arg28[%get3A_556, %get3A_557] : memref<172x1xf32, #tpu.memory_space<vmem>>, vector<172x1xf32>
    %dot_general3A_559 = arith.constant dense<0.000000e+00> : vector<64x1xf32>
    %dot_general3A_560 = tpu.matmul %max3A_555, %get3A_558, %dot_general3A_559 {dimension_numbers = #tpu.dot_dimension_numbers<[1], [0], [0], [1], [0, 0, 1, 1], [], []>, transpose_lhs_hint = false} : vector<64x172xf32>, vector<172x1xf32>, vector<64x1xf32> -> vector<64x1xf32>
    %get3A_561 = arith.constant 0 : index
    %get3A_562 = arith.constant 0 : index
    %get3A_563 = vector.load %arg29[%get3A_561, %get3A_562] : memref<1x1xf32, #tpu.memory_space<vmem>>, vector<1x1xf32>
    %add3A_564 = vector.broadcast %get3A_563 : vector<1x1xf32> to vector<64x1xf32>
    %add3A_565 = arith.addf %dot_general3A_560, %add3A_564 : vector<64x1xf32>
    %logistic3A = arith.negf %add3A_565 : vector<64x1xf32>
    %logistic3A_566 = math.exp %logistic3A : vector<64x1xf32>
    %logistic3A_567 = arith.constant 1.000000e+00 : f32
    %logistic3A_568 = vector.broadcast %logistic3A_567 : f32 to vector<64x1xf32>
    %logistic3A_569 = arith.addf %logistic3A_568, %logistic3A_566 : vector<64x1xf32>
    %logistic3A_570 = arith.divf %logistic3A_568, %logistic3A_569 : vector<64x1xf32>
    %swap3A = arith.constant 0 : index
    %swap3A_571 = arith.constant 0 : index
    %swap3A_572 = vector.load %arg30[%swap3A, %swap3A_571] : memref<64x1xf32, #tpu.memory_space<vmem>>, vector<64x1xf32>
    tpu.vector_store %arg30[%swap3A, %swap3A_571], %logistic3A_570 {strides = array<i32>} : memref<64x1xf32, #tpu.memory_space<vmem>>, vector<64x1xf32>,
    return
  }
  func.func @transform_0(%arg0: i32) -> (i32, i32) {
    %c0_i32 = arith.constant 0 : i32
    %c0_i32_0 = arith.constant 0 : i32
    return %arg0, %c0_i32 : i32, i32
  }
  func.func @transform_1(%arg0: i32) -> (i32, i32) {
    %c0_i32 = arith.constant 0 : i32
    %c0_i32_0 = arith.constant 0 : i32
    return %arg0, %c0_i32 : i32, i32
  }
  func.func @transform_2(%arg0: i32) -> (i32, i32) {
    %add3A = arith.constant 64 : i32
    %add3A_0 = arith.addi %arg0, %add3A : i32
    %c0_i32 = arith.constant 0 : i32
    %c0_i32_1 = arith.constant 0 : i32
    return %add3A_0, %c0_i32 : i32, i32
  }
  func.func @transform_3(%arg0: i32) -> (i32, i32) {
    %c0_i32 = arith.constant 0 : i32
    %c0_i32_0 = arith.constant 0 : i32
    return %arg0, %c0_i32 : i32, i32
  }
  func.func @transform_4(%arg0: i32) -> (i32, i32) {
    %add3A = arith.constant 64 : i32
    %add3A_0 = arith.addi %arg0, %add3A : i32
    %c0_i32 = arith.constant 0 : i32
    %c0_i32_1 = arith.constant 0 : i32
    return %add3A_0, %c0_i32 : i32, i32
  }
  func.func @transform_5(%arg0: i32) -> (i32, i32) {
    %c0_i32 = arith.constant 0 : i32
    %c0_i32_0 = arith.constant 0 : i32
    return %arg0, %c0_i32 : i32, i32
  }
  func.func @transform_6(%arg0: i32) -> (i32, i32) {
    %add3A = arith.constant 64 : i32
    %add3A_0 = arith.addi %arg0, %add3A : i32
    %c0_i32 = arith.constant 0 : i32
    %c0_i32_1 = arith.constant 0 : i32
    return %add3A_0, %c0_i32 : i32, i32
  }
  func.func @transform_7(%arg0: i32) -> (i32, i32) {
    %c0_i32 = arith.constant 0 : i32
    %c0_i32_0 = arith.constant 0 : i32
    return %arg0, %c0_i32 : i32, i32
  }
  func.func @transform_8(%arg0: i32) -> (i32, i32) {
    %add3A = arith.constant 64 : i32
    %add3A_0 = arith.addi %arg0, %add3A : i32
    %c0_i32 = arith.constant 0 : i32
    %c0_i32_1 = arith.constant 0 : i32
    return %add3A_0, %c0_i32 : i32, i32
  }
  func.func @transform_9(%arg0: i32) -> (i32, i32) {
    %c0_i32 = arith.constant 0 : i32
    %c0_i32_0 = arith.constant 0 : i32
    %c0_i32_1 = arith.constant 0 : i32
    return %c0_i32, %c0_i32_0 : i32, i32
  }
  func.func @transform_10(%arg0: i32) -> (i32, i32) {
    %c0_i32 = arith.constant 0 : i32
    %c0_i32_0 = arith.constant 0 : i32
    %c0_i32_1 = arith.constant 0 : i32
    return %c0_i32, %c0_i32_0 : i32, i32
  }
  func.func @transform_11(%arg0: i32) -> (i32, i32) {
    %c0_i32 = arith.constant 0 : i32
    %c0_i32_0 = arith.constant 0 : i32
    %c0_i32_1 = arith.constant 0 : i32
    return %c0_i32, %c0_i32_0 : i32, i32
  }
  func.func @transform_12(%arg0: i32) -> (i32, i32) {
    %c0_i32 = arith.constant 0 : i32
    %c0_i32_0 = arith.constant 0 : i32
    %c0_i32_1 = arith.constant 0 : i32
    return %c0_i32, %c0_i32_0 : i32, i32
  }
  func.func @transform_13(%arg0: i32) -> (i32, i32) {
    %c0_i32 = arith.constant 0 : i32
    %c0_i32_0 = arith.constant 0 : i32
    %c0_i32_1 = arith.constant 0 : i32
    return %c0_i32, %c0_i32_0 : i32, i32
  }
  func.func @transform_14(%arg0: i32) -> (i32, i32) {
    %c0_i32 = arith.constant 0 : i32
    %c0_i32_0 = arith.constant 0 : i32
    %c0_i32_1 = arith.constant 0 : i32
    return %c0_i32, %c0_i32_0 : i32, i32
  }
  func.func @transform_15(%arg0: i32) -> (i32, i32) {
    %c0_i32 = arith.constant 0 : i32
    %c0_i32_0 = arith.constant 0 : i32
    %c0_i32_1 = arith.constant 0 : i32
    return %c0_i32, %c0_i32_0 : i32, i32
  }
  func.func @transform_16(%arg0: i32) -> (i32, i32) {
    %c0_i32 = arith.constant 0 : i32
    %c0_i32_0 = arith.constant 0 : i32
    %c0_i32_1 = arith.constant 0 : i32
    return %c0_i32, %c0_i32_0 : i32, i32
  }
  func.func @transform_17(%arg0: i32) -> (i32, i32) {
    %c0_i32 = arith.constant 0 : i32
    %c0_i32_0 = arith.constant 0 : i32
    %c0_i32_1 = arith.constant 0 : i32
    return %c0_i32, %c0_i32_0 : i32, i32
  }
  func.func @transform_18(%arg0: i32) -> (i32, i32) {
    %c0_i32 = arith.constant 0 : i32
    %c0_i32_0 = arith.constant 0 : i32
    %c0_i32_1 = arith.constant 0 : i32
    return %c0_i32, %c0_i32_0 : i32, i32
  }
  func.func @transform_19(%arg0: i32) -> (i32, i32) {
    %c0_i32 = arith.constant 0 : i32
    %c0_i32_0 = arith.constant 0 : i32
    %c0_i32_1 = arith.constant 0 : i32
    return %c0_i32, %c0_i32_0 : i32, i32
  }
  func.func @transform_20(%arg0: i32) -> (i32, i32) {
    %c0_i32 = arith.constant 0 : i32
    %c0_i32_0 = arith.constant 0 : i32
    %c0_i32_1 = arith.constant 0 : i32
    return %c0_i32, %c0_i32_0 : i32, i32
  }
  func.func @transform_21(%arg0: i32) -> (i32, i32) {
    %c0_i32 = arith.constant 0 : i32
    %c0_i32_0 = arith.constant 0 : i32
    %c0_i32_1 = arith.constant 0 : i32
    return %c0_i32, %c0_i32_0 : i32, i32
  }
  func.func @transform_22(%arg0: i32) -> (i32, i32) {
    %c0_i32 = arith.constant 0 : i32
    %c0_i32_0 = arith.constant 0 : i32
    %c0_i32_1 = arith.constant 0 : i32
    return %c0_i32, %c0_i32_0 : i32, i32
  }
  func.func @transform_23(%arg0: i32) -> (i32, i32) {
    %c0_i32 = arith.constant 0 : i32
    %c0_i32_0 = arith.constant 0 : i32
    %c0_i32_1 = arith.constant 0 : i32
    return %c0_i32, %c0_i32_0 : i32, i32
  }
  func.func @transform_24(%arg0: i32) -> (i32, i32) {
    %c0_i32 = arith.constant 0 : i32
    %c0_i32_0 = arith.constant 0 : i32
    %c0_i32_1 = arith.constant 0 : i32
    return %c0_i32, %c0_i32_0 : i32, i32
  }
  func.func @transform_25(%arg0: i32) -> (i32, i32) {
    %c0_i32 = arith.constant 0 : i32
    %c0_i32_0 = arith.constant 0 : i32
    %c0_i32_1 = arith.constant 0 : i32
    return %c0_i32, %c0_i32_0 : i32, i32
  }
  func.func @transform_26(%arg0: i32) -> (i32, i32) {
    %c0_i32 = arith.constant 0 : i32
    %c0_i32_0 = arith.constant 0 : i32
    %c0_i32_1 = arith.constant 0 : i32
    return %c0_i32, %c0_i32_0 : i32, i32
  }
  func.func @transform_27(%arg0: i32) -> (i32, i32) {
    %c0_i32 = arith.constant 0 : i32
    %c0_i32_0 = arith.constant 0 : i32
    %c0_i32_1 = arith.constant 0 : i32
    return %c0_i32, %c0_i32_0 : i32, i32
  }
  func.func @transform_28(%arg0: i32) -> (i32, i32) {
    %c0_i32 = arith.constant 0 : i32
    %c0_i32_0 = arith.constant 0 : i32
    %c0_i32_1 = arith.constant 0 : i32
    return %c0_i32, %c0_i32_0 : i32, i32
  }
  func.func @transform_29(%arg0: i32) -> (i32, i32) {
    %c0_i32 = arith.constant 0 : i32
    %c0_i32_0 = arith.constant 0 : i32
    return %arg0, %c0_i32 : i32, i32
  }
}

</mosaic_0001>

<sc_bundles>
// kernel: kernel.10.cloned.1.call-start
scs
__scs_entry_jumppad:
0x0: {  	(pc) =	sbr.rel $0x88, $3  }
0x1: {  	(tag) =	ssettag $0x0;
	lr =	simm.s32 $0x1  }
0x2: {  	[smem:$0x3F8B] =	sst lr;
	_ =	strace $0xD0000000  }
0x3: {  	_ = 	snop  }
0x4: {  	_ = 	snop  }
0x5: {  	_ = 	snop  }
0x6: {  	_ = 	snop  }
0x7: {  	_ = 	snop  }
__scs_overlays_trampoline_lowered:
0x8: {  	[smem:$0x3F9A] =	sst s0  }
0x9: {  	[smem:$0x3F9B] =	sst s1  }
0xa: {  	[smem:$0x3F9C] =	sst s2  }
0xb: {  	[smem:$0x3F9D] =	sst s3  }
0xc: {  	[smem:$0x3F9E] =	sst s4  }
0xd: {  	[smem:$0x3F9F] =	sst s5  }
0xe: {  	[smem:$0x3FA0] =	sst s6  }
0xf: {  	[smem:$0x3FA1] =	sst s7  }
0x10: {  	[smem:$0x3FA2] =	sst s8  }
0x11: {  	[smem:$0x3FA3] =	sst s9;
	s0 =	simm.s32 @!p0 $0x0  }
0x12: {  	s1 =	sld [smem:$0x3F89];
	s0 =	simm.s32 @p0 $0x1  }
0x13: {  	[smem:$0x3FA4] =	sst s0;
	s0 =	simm.s32 @!p1 $0x0  }
0x14: {  	s2 =	sld [smem:$0x3F88];
	s0 =	simm.s32 @p1 $0x1  }
0x15: {  	[smem:$0x3FA5] =	sst s0;
	s0 =	simm.s32 @!p2 $0x0  }
0x16: {  	s3 =	sld [smem:$0x3FDB];
	s0 =	simm.s32 @p2 $0x1  }
0x17: {  	s4 =	simm.s32 $0x1BF5;
	[smem:$0x3FA7] =	sst s0  }
0x18: {  	s0 =	sld [smem:$0x3F8A];
	_ =	swait.ge [sflag:s4], $0x0  }
0x19: {  	s7 =	sld [smem:$0x3F8B]  }
0x1a: {  	s8 =	sadd.s32 $0xFFFFE003, lr  }
0x1b: {  	s9 =	sadd.s32 $0xFFFFFEF7, lr;
	s5 =	simm.s32 $0xFFFFFFFF;
	p2 =	slt.u32 s8, $0xFFFFF086  }
0x1c: {  	p1 =	slt.u32 s9, $0xF7A;
	s5 =	simm.s32 @!p2 $0x0  }
0x1d: {  	s5 =	simm.s32 @p1 $0x1;
	p0 =	seq.s32 s7, s2  }
0x1e: {  	s7 =	smul.u32 @!p0 $0xF7A, s2;
	p2 =	seq.s32 @!p0 s5, $0x0  }
0x1f: {  	s9 =	smul.u32 $0xF7A, s1;
	s8 =	simm.s32 @!p0 $0x1BF5;
	p2 =	por !p2, p0  }
0x20: {  	[sflag:s8] =	ssyncset.s32 @!p0 $0xFFFFF086;
	s6 =	sadd.s32 @!p0 s3, s7;
	s7 =	simm.s32 @!p0 $0x108  }
0x21: {  	s3 =	sadd.s32 s3, s9;
	s6 =	sadd.s32 @!p0 $0x88, s6;
	s7 =	simm.s32 @p2 $0x1082  }
0x22: {  	[simem:s7], [sflag:s8] =	dma.local @!p0 [hbm:s6], $0xF7A  }
0x23: {  	s9 =	sor.u32 $0xD0000000, s2;
	s6 =	simm.s32 $0x108;
	_ =	swait.ge @!p0 [sflag:s8], $0x0  }
0x24: {  	s3 =	sadd.s32 $0x88, s3;
	s6 =	simm.s32 @!p1 $0x1082;
	[sflag:s4] =	ssyncset.s32 $0xFFFFF086  }
0x25: {  	[simem:s6], [sflag:s4] =	dma.local [hbm:s3], $0xF7A  }
0x26: {  	[smem:$0x3F8B] =	sst s1;
	(tag) =	ssettag s2;
	_ =	strace s9  }
0x27: {  	s1 =	sld [smem:$0x3F9B]  }
0x28: {  	s2 =	sld [smem:$0x3F9C]  }
0x29: {  	s4 =	sld [smem:$0x3F9E]  }
0x2a: {  	p0 =	seq.s32 s5, $0x0;
	s5 =	sld [smem:$0x3F9F]  }
0x2b: {  	s6 =	sld [smem:$0x3FA0]  }
0x2c: {  	s7 =	sld [smem:$0x3FA1]  }
0x2d: {  	s3 =	simm.s32 $0x108;
	s8 =	sld [smem:$0x3FA2]  }
0x2e: {  	s3 =	simm.s32 @!p0 $0x1082;
	s9 =	sld [smem:$0x3FA3]  }
0x2f: {  	lr =	sadd.s32 s0, s3;
	s0 =	sld [smem:$0x3F9A]  }
0x30: {  	s3 =	sld [smem:$0x3F9D]  }
0x31: {  	[smem:$0x3FA6] =	sst s10  }
0x32: {  	s10 =	sld [smem:$0x3FA4];
	_ =	sdelay $0x3  }
0x33: {  	p0 =	seq.s32 s10, $0x1;
	s10 =	sld [smem:$0x3FA6];
	_ =	sdelay $0x3  }
0x34: {  	[smem:$0x3FA6] =	sst s10  }
0x35: {  	s10 =	sld [smem:$0x3FA5];
	_ =	sdelay $0x3  }
0x36: {  	p1 =	seq.s32 s10, $0x1;
	s10 =	sld [smem:$0x3FA6];
	_ =	sdelay $0x3  }
0x37: {  	[smem:$0x3FA6] =	sst s10  }
0x38: {  	s10 =	sld [smem:$0x3FA7]  }
0x39: {  	_ = 	snop;
	(pc) =	sbr.ind lr, $3  }
0x3a: {  	_ = 	snop  }
0x3b: {  	_ = 	snop  }
0x3c: {  	p2 =	seq.s32 s10, $0x1;
	s10 =	sld [smem:$0x3FA6]  }
0x3d: {  	_ =	shalt  }
0x3e: {  	_ =	shalt  }
0x3f: {  	_ =	shalt  }
0x40: {  	_ =	shalt  }
0x41: {  	_ =	shalt  }
0x42: {  	_ =	shalt  }
0x43: {  	_ =	shalt  }
0x44: {  	_ =	shalt  }
0x45: {  	_ =	shalt  }
0x46: {  	_ =	shalt  }
0x47: {  	_ =	shalt  }
0x48: {  	_ =	shalt  }
0x49: {  	_ =	shalt  }
0x4a: {  	_ =	shalt  }
0x4b: {  	_ =	shalt  }
0x4c: {  	_ =	shalt  }
0x4d: {  	_ =	shalt  }
0x4e: {  	_ =	shalt  }
0x4f: {  	_ =	shalt  }
0x50: {  	_ =	shalt  }
0x51: {  	_ =	shalt  }
0x52: {  	_ =	shalt  }
0x53: {  	_ =	shalt  }
0x54: {  	_ =	shalt  }
0x55: {  	_ =	shalt  }
0x56: {  	_ =	shalt  }
0x57: {  	_ =	shalt  }
0x58: {  	_ =	shalt  }
0x59: {  	_ =	shalt  }
0x5a: {  	_ =	shalt  }
0x5b: {  	_ =	shalt  }
0x5c: {  	_ =	shalt  }
0x5d: {  	_ =	shalt  }
0x5e: {  	_ =	shalt  }
0x5f: {  	_ =	shalt  }
0x60: {  	_ =	shalt  }
0x61: {  	_ =	shalt  }
0x62: {  	_ =	shalt  }
0x63: {  	_ =	shalt  }
0x64: {  	_ =	shalt  }
0x65: {  	_ =	shalt  }
0x66: {  	_ =	shalt  }
0x67: {  	_ =	shalt  }
0x68: {  	_ =	shalt  }
0x69: {  	_ =	shalt  }
0x6a: {  	_ =	shalt  }
0x6b: {  	_ =	shalt  }
0x6c: {  	_ =	shalt  }
0x6d: {  	_ =	shalt  }
0x6e: {  	_ =	shalt  }
0x6f: {  	_ =	shalt  }
0x70: {  	_ =	shalt  }
0x71: {  	_ =	shalt  }
0x72: {  	_ =	shalt  }
0x73: {  	_ =	shalt  }
0x74: {  	_ =	shalt  }
0x75: {  	_ =	shalt  }
0x76: {  	_ =	shalt  }
0x77: {  	_ =	shalt  }
0x78: {  	_ =	shalt  }
0x79: {  	_ =	shalt  }
0x7a: {  	_ =	shalt  }
0x7b: {  	_ =	shalt  }
0x7c: {  	_ =	shalt  }
0x7d: {  	_ =	shalt  }
0x7e: {  	_ =	shalt  }
0x7f: {  	_ =	shalt  }
0x80: {  	_ =	shalt  }
0x81: {  	_ =	shalt  }
0x82: {  	_ =	shalt  }
0x83: {  	_ =	shalt  }
0x84: {  	_ =	shalt  }
0x85: {  	_ =	shalt  }
0x86: {  	_ =	shalt  }
0x87: {  	_ =	shalt  }
.Lfunc_end0:
.L_simem_size_0:
called_computation.1_lowered:
.L_overlay_start_0:
0x88: {  	s2 =	sld [smem:$0x3FD9]  }
0x89: {  	s3 =	sld [smem:$0x3FFE];
	_ =	sdelay $0x1  }
0x8a: {  	s1 =	srdreg.scid  }
0x8b: {  	s0 =	sand.u32 $0x1, s1  }
0x8c: {  	s17 =	sshll.u32 s0, $0xA;
	s2 =	sadd.s32 s3, s2  }
0x8d: {  	s2 =	sadd.s32 s2, s17  }
0x8e: {  	[smem:$0x3FB2] =	sst s2  }
0x8f: {  	_ = 	snop  }
0x90: {  	(tm) =	ssettm $0x1  }
0x91: {  	s18 =	sld [smem:$0x3FFB];
	_ =	sdelay $0x3  }
0x92: {  	_ =	strace s18  }
0x93: {  	s2 =	sld [smem:$0x3FFC];
	_ =	sdelay $0x3  }
0x94: {  	_ =	strace s2  }
0x95: {  	s2 =	sld [smem:$0x3FFD];
	_ =	sdelay $0x3  }
0x96: {  	_ =	strace s2  }
0x97: {  	_ =	strace $0x8FFFFFFF  }
0x98: {  	s19 =	sld [smem:$0x3FDB];
	_ =	sdelay $0x1  }
0x99: {  	s20 =	simm.s32 $_scs_section_size  }
0x9a: {  	s4 =	simm.s32 $_size__tile_overlayer_lowered;
	s5 =	simm.s32 $_tile_overlayer_lowered  }
0x9b: {  	s6 =	simm.s32 $0x1BFF;
	s21 =	sshll.u32 s5, $0x1;
	s3 =	sadd.s32 s20, s19  }
0x9c: {  	s22 =	simm.s32 $0x0;
	s4 =	sshll.u32 s4, $0x1;
	s5 =	sadd.s32 s21, s3  }
0x9d: {  	[timem:s22], [sflag:s6] =	dma.local [hbm:s5], s4  }
0x9e: {  	_ =	swait.ge [sflag:s6], s4  }
0x9f: {  	s4 =	ssub.s32 $0x0, s4;
	[sflag:s6] =	ssyncset.done $0x0  }
0xa0: {  	[sflag:s6] =	ssyncadd.s32 s4;
	_ =	sdelay $0x1  }
0xa1: {  	s23 =	simm.s32 $0x1B8B  }
0xa2: {  	_ =	swait.ge [sflag:s23], $0x1  }
0xa3: {  	[sflag:s23] =	ssyncset.done $0x0  }
0xa4: {  	[sflag:s23] =	ssyncadd.s32 $0xFFFFFFFF  }
0xa5: {  	s4 =	sld [smem:$0x0]  }
0xa6: {  	s5 =	sand.u32 $0xFFFFFFFE, s1  }
0xa7: {  	p0 =	sne.s32 s1, s5  }
0xa8: {  	s5 =	sshll.u32 @p0 s5, $0xE  }
0xa9: {  	s5 =	sadd.s32 @p0 $0x11B8D, s5;
	s6 =	sshll.u32 @p0 s4, $0x11  }
0xaa: {  	s5 =	sor.u32 @p0 s6, s5  }
0xab: {  	[sflag:s5] =	ssyncadd.remote.s32 @p0 $0x1;
	_ =	sdelay $0x1  }
0xac: {  	s5 =	simm.s32 @p0 $0x1B8D  }
0xad: {  	_ =	swait.eq @p0 [sflag:s5], $0x1  }
0xae: {  	[sflag:s5] =	ssyncadd.s32 @p0 $0xFFFFFFFF  }
0xaf: {  	s6 =	sshll.u32 @!p0 s1, $0xE  }
0xb0: {  	s6 =	sor.u32 @!p0 $0x4000, s6;
	s5 =	simm.s32 @!p0 $0x1B8D  }
0xb1: {  	s4 =	sshll.u32 @!p0 s4, $0x11;
	s6 =	sadd.s32 @!p0 $0x11B8D, s6;
	_ =	swait.eq @!p0 [sflag:s5], $0x1  }
0xb2: {  	s4 =	sor.u32 @!p0 s4, s6;
	[sflag:s5] =	ssyncadd.s32 @!p0 $0xFFFFFFFF  }
0xb3: {  	s25 =	simm.s32 $0x1B8E;
	s24 =	sld [smem:$0x3FFE];
	[sflag:s4] =	ssyncadd.remote.s32 @!p0 $0x1  }
0xb4: {  	s26 =	simm.s32 $execute0_lowered;
	[smem:$0x3FD2] =	sst s25  }
0xb5: {  	s5 =	sshll.u32 s26, $0x1;
	_ =	strace $0x80000049;
	[dreg:$0x1] =	wrdreg $0xFFFFFFFF  }
0xb6: {  	s28 =	simm.s32 $_size_execute0_lowered;
	s3 =	sadd.s32 s3, s5;
	[dreg:$0x0] =	wrdreg $0x0  }
0xb7: {  	s5 =	sshll.u32 s28, $0x1;
	[dreg:$0x2] =	wrdreg s3  }
0xb8: {  	[dreg:$0x3] =	wrdreg s5  }
0xb9: {  	[dreg:$0x4] =	wrdreg $0xC0  }
0xba: {  	_ =	task [dreg:s22], $0x5FFFF  }
0xbb: {  	[dreg:$0x1] =	wrdreg $0xFFFFFFFF  }
0xbc: {  	[dreg:$0x0] =	wrdreg $0x60  }
0xbd: {  	[dreg:$0x2] =	wrdreg s24  }
0xbe: {  	[dreg:$0x3] =	wrdreg $0xA  }
0xbf: {  	_ =	task.clear_ibuf [dreg:s22], $0x4FFFF;
	_ =	strace $0x90000049  }
0xc0: {  	s29 =	simm.s32 $0xA;
	_ =	strace $0x8000004B  }
0xc1: {  	_ =	swait.ge [sflag:s29], $0x1  }
0xc2: {  	[sflag:s29] =	ssyncadd.s32 $0xFFFFFFFF  }
0xc3: {  	_ =	strace $0x9000004B  }
0xc4: {  	_ =	sfence  }
0xc5: {  	s30 =	sld [smem:$0x0];
	_ =	sdelay $0x2  }
0xc6: {  	s31 =	sshll.u32 s1, $0xD;
	s1 =	sshrl.u32 s1, $0x2  }
0xc7: {  	s4 =	sand.u32 $0x4000, s31;
	s1 =	sadd.s32 s1, s30  }
0xc8: {  	s0 =	sor.u32 s4, s0;
	s1 =	sshll.u32 s1, $0x11  }
0xc9: {  	s0 =	sor.u32 s1, s0  }
0xca: {  	s0 =	sadd.s32 $0x8F2B, s0  }
0xcb: {  	[sflag:s0] =	ssyncadd.remote.s32 $0x1  }
0xcc: {  	_ =	sfence.sel $0xFFFF  }
0xcd: {  	[dreg:$0x0] =	wrdreg $0xFFFFFFFF;
	(pc) =	sbr.abs _section_cstart, $3  }
0xce: {  	[dreg:$0x1] =	wrdreg $0xFFFFFFFF  }
0xcf: {  	_ =	task.clear_ibuf [dreg:s22], $0x2FFFF;
	_ =	strace $0x9FFFFFFF  }
0xd0: {  	(tm) =	ssettm $0x7FFFFFFF  }
0xd1: {  	_ =	shalt  }
tec
execute0_lowered:
.L_overlay_start_1:
0x0: {  	(tag) =	ssettag $0x1  }
0x1: {  	s0 =	stileid.u32;
	s1 =	srdreg.scid  }
0x2: {  	s4 =	sand.u32 $0x1, s1;
	s8 =	smul.u32 $0x2800, s0  }
0x3: {  	s2 =	smul.u32 $0x1400, s4;
	_ =	sdelay $0x1  }
0x4: {  	s5 =	rddreg [dreg:$0x0];
	s3 =	sadd.s32 s2, s8;
	s2 =	simm.s32 $0x0  }
0x5: {  	s9 =	simm.s32 $0x900;
	[smem:$0x7FF] =	sst s2  }
0x6: {  	s10 =	simm.s32 $0x1100;
	_ =	strace $0x8000004A;
	[dreg:$0x4] =	wrdreg s9  }
0x7: {  	s11 =	simm.s32 $0x1900;
	[dreg:$0x5] =	wrdreg s10  }
0x8: {  	s12 =	simm.s32 $0x2100;
	[dreg:$0x6] =	wrdreg s11  }
0x9: {  	s13 =	simm.s32 $0x2900;
	[dreg:$0x7] =	wrdreg s12  }
0xa: {  	s14 =	simm.s32 $0x3100;
	[dreg:$0x8] =	wrdreg s13  }
0xb: {  	s16 =	simm.s32 $0x3900;
	s17 =	simm.s32 $0x4100;
	[dreg:$0x9] =	wrdreg s14  }
0xc: {  	s18 =	simm.s32 $0x4900;
	s20 =	simm.s32 $0x5100;
	[dreg:$0xa] =	wrdreg s16  }
0xd: {  	s21 =	simm.s32 $0x5900;
	s22 =	simm.s32 $0x6100;
	[dreg:$0xb] =	wrdreg s17  }
0xe: {  	s24 =	simm.s32 $0x6900;
	s26 =	simm.s32 $0x7100;
	[dreg:$0xc] =	wrdreg s18  }
0xf: {  	s30 =	simm.s32 $0x7900;
	s31 =	simm.s32 $0x80;
	[dreg:$0xd] =	wrdreg s20  }
0x10: {  	s28 =	simm.s32 $0x4;
	s29 =	simm.s32 $0x0;
	[dreg:$0xe] =	wrdreg s21  }
0x11: {  	s7 =	sadd.s32 $0x148B200, s5;
	s15 =	smul.u32 $0x50000, s0;
	[dreg:$0xf] =	wrdreg s22  }
0x12: {  	s19 =	ssub.s32 $0x2, s4;
	s23 =	smul.u32 $0x28000, s4;
	[dreg:$0x10] =	wrdreg s24  }
0x13: {  	s8 =	sshrl.u32 s19, $0x1;
	s6 =	sor.u32 $0x80, s3;
	[dreg:$0x11] =	wrdreg s26  }
0x14: {  	s3 =	sshrl.u32 s3, $0x3;
	s6 =	sshrl.u32 s6, $0x3;
	[dreg:$0x12] =	wrdreg s30  }
0x15: {  	s3 =	sadd.s32 s3, s7;
	[dreg:$0x13] =	wrdreg s31;
	s9 =	simm.s32 $0x8900  }
0x16: {  	s10 =	simm.s32 $0x9100;
	s11 =	simm.s32 $0x9900;
	s12 =	simm.s32 $0xA100  }
0x17: {  	s13 =	simm.s32 $0xA900;
	s14 =	simm.s32 $0xB100;
	s16 =	simm.s32 $0xC100  }
0x18: {  	s17 =	simm.s32 $0xC900;
	s18 =	simm.s32 $0xD100;
	s20 =	simm.s32 $0xE100  }
0x19: {  	s21 =	simm.s32 $0xE900;
	s22 =	simm.s32 $0xF100;
	s24 =	simm.s32 $0x1  }
0x1a: {  	s26 =	simm.s32 $0x3;
	s6 =	sadd.s32 s6, s7;
	[dreg:$0x3] =	wrdreg s3  }
0x1b: {  	s3 =	sadd.s32 $0x856200, s5;
	s5 =	sadd.s32 s15, s5;
	s7 =	ssub.s32 s19, s8  }
0x1c: {  	s8 =	simm.s32 $0x8100;
	s15 =	simm.s32 $0xB900;
	s19 =	simm.s32 $0xD900  }
0x1d: {  	v2 =	vlaneseq.u32;
	[dreg:$0x2] =	wrdreg s6;
	s25 =	smax.u32 s7, $0x1;
	s5 =	sadd.s32 s23, s5  }
0x1e: {  	vm0 =	vmmov $0xffff;
	v1 =	vshrl.u32 v2, $0x3;
	s6 =	simm.s32 $0x5;
	s7 =	simm.s32 $0x100;
	s23 =	simm.s32 $0xF900  }
0x1f: {  	v0 =	vand.u32 $0x7, v2;
	v2 =	vor.u32 $0x8, v2;
	v1 =	vmul.u32 $0x8, v1;
	[dreg:$0x14] =	wrdreg s25;
	s5 =	sadd.s32 $0x1490200, s5;
	s25 =	simm.s32 $0x2  }
.LBB2_1:
0x20: {  	s30 =	smov.u32 s5;
	s31 =	simm.s32 $0x0  }
.LBB2_2:
0x21: {  	s1 =	rddreg [dreg:$0x3]  }
0x22: {  	s1 =	sadd.s32 s31, s1  }
0x23: {  	[tilespmem:s2], [sflag:$0x5] =	stream.linear.gather [hbm4b:s1+s2], $0x80, $0x38;
	[tilespmem:$0x10100] =	vst v63  }
0x24: {  	_ =	swait.ge [sflag:s6], $0x80  }
0x25: {  	[sflag:s6] =	ssyncset.done $0x0  }
0x26: {  	[sflag:s6] =	ssyncadd.s32 $0xFFFFFF80  }
0x27: {  	v3 =	vld [tilespmem:$0x0];
	_ =	sdelay $0x4  }
0x28: {  	v4 =	vshll.u32 v3, $0x1  }
0x29: {  	v3 =	vand.u32 $0x7, v3;
	v4 =	vand.u32 $0xFFFFFFF0, v4  }
0x2a: {  	v3 =	vor.u32 v3, v4  }
0x2b: {  	v4 =	vperm.xlane v3, v0;
	_ =	sdelay $0x1  }
0x2c: {  	v3 =	vperm.xlane v3, v2;
	v4 =	vadd.s32 v1, v4;
	_ =	sdelay $0x1  }
0x2d: {  	v3 =	vadd.s32 v1, v3;
	_ =	sdelay $0x2  }
0x2e: {  	[tilespmem:s7], [sflag:$0x1] =	stream.indirect_vreg.gather [hbm4b:s3+s2], $0x80, v4, vm0, $0xb8;
	[tilespmem:$0x10100] =	vst v63  }
0x2f: {  	s0 =	rddreg [dreg:$0x4]  }
0x30: {  	[tilespmem:s0], [sflag:$0x1] =	stream.indirect_vreg.gather [hbm4b:s3+s2], $0x80, v3, vm0, $0xb8;
	[tilespmem:$0x10100] =	vst v63  }
0x31: {  	v3 =	vld [tilespmem:$0x10];
	_ =	sdelay $0x4  }
0x32: {  	v49 =	vshll.u32 v3, $0x1  }
0x33: {  	v3 =	vand.u32 $0x7, v3;
	v4 =	vand.u32 $0xFFFFFFF0, v49  }
0x34: {  	v3 =	vor.u32 v3, v4  }
0x35: {  	v4 =	vperm.xlane v3, v0;
	_ =	sdelay $0x1  }
0x36: {  	v3 =	vperm.xlane v3, v2;
	v4 =	vadd.s32 v1, v4;
	_ =	sdelay $0x1  }
0x37: {  	v3 =	vadd.s32 v1, v3;
	_ =	sdelay $0x1  }
0x38: {  	s4 =	rddreg [dreg:$0x5]  }
0x39: {  	[tilespmem:s4], [sflag:$0x1] =	stream.indirect_vreg.gather [hbm4b:s3+s2], $0x80, v4, vm0, $0xb8;
	[tilespmem:$0x10100] =	vst v63  }
0x3a: {  	s0 =	rddreg [dreg:$0x6]  }
0x3b: {  	[tilespmem:s0], [sflag:$0x1] =	stream.indirect_vreg.gather [hbm4b:s3+s2], $0x80, v3, vm0, $0xb8;
	[tilespmem:$0x10100] =	vst v63  }
0x3c: {  	v3 =	vld [tilespmem:$0x20];
	_ =	sdelay $0x4  }
0x3d: {  	v50 =	vshll.u32 v3, $0x1  }
0x3e: {  	v3 =	vand.u32 $0x7, v3;
	v4 =	vand.u32 $0xFFFFFFF0, v50  }
0x3f: {  	v3 =	vor.u32 v3, v4  }
0x40: {  	v4 =	vperm.xlane v3, v0;
	_ =	sdelay $0x1  }
0x41: {  	v3 =	vperm.xlane v3, v2;
	v4 =	vadd.s32 v1, v4;
	_ =	sdelay $0x1  }
0x42: {  	v3 =	vadd.s32 v1, v3;
	_ =	sdelay $0x1  }
0x43: {  	s1 =	rddreg [dreg:$0x7]  }
0x44: {  	[tilespmem:s1], [sflag:$0x1] =	stream.indirect_vreg.gather [hbm4b:s3+s2], $0x80, v4, vm0, $0xb8;
	[tilespmem:$0x10100] =	vst v63  }
0x45: {  	s4 =	rddreg [dreg:$0x8]  }
0x46: {  	[tilespmem:s4], [sflag:$0x1] =	stream.indirect_vreg.gather [hbm4b:s3+s2], $0x80, v3, vm0, $0xb8;
	[tilespmem:$0x10100] =	vst v63  }
0x47: {  	v3 =	vld [tilespmem:$0x30];
	_ =	sdelay $0x4  }
0x48: {  	v51 =	vshll.u32 v3, $0x1  }
0x49: {  	v3 =	vand.u32 $0x7, v3;
	v4 =	vand.u32 $0xFFFFFFF0, v51  }
0x4a: {  	v3 =	vor.u32 v3, v4  }
0x4b: {  	v4 =	vperm.xlane v3, v0;
	_ =	sdelay $0x1  }
0x4c: {  	v3 =	vperm.xlane v3, v2;
	v4 =	vadd.s32 v1, v4;
	_ =	sdelay $0x1  }
0x4d: {  	v3 =	vadd.s32 v1, v3;
	_ =	sdelay $0x1  }
0x4e: {  	s1 =	rddreg [dreg:$0x9]  }
0x4f: {  	[tilespmem:s1], [sflag:$0x1] =	stream.indirect_vreg.gather [hbm4b:s3+s2], $0x80, v4, vm0, $0xb8;
	[tilespmem:$0x10100] =	vst v63  }
0x50: {  	s4 =	rddreg [dreg:$0xa]  }
0x51: {  	[tilespmem:s4], [sflag:$0x1] =	stream.indirect_vreg.gather [hbm4b:s3+s2], $0x80, v3, vm0, $0xb8;
	[tilespmem:$0x10100] =	vst v63  }
0x52: {  	v3 =	vld [tilespmem:$0x40];
	_ =	sdelay $0x4  }
0x53: {  	v52 =	vshll.u32 v3, $0x1  }
0x54: {  	v3 =	vand.u32 $0x7, v3;
	v4 =	vand.u32 $0xFFFFFFF0, v52  }
0x55: {  	v3 =	vor.u32 v3, v4  }
0x56: {  	v4 =	vperm.xlane v3, v0;
	_ =	sdelay $0x1  }
0x57: {  	v3 =	vperm.xlane v3, v2;
	v4 =	vadd.s32 v1, v4;
	_ =	sdelay $0x1  }
0x58: {  	v3 =	vadd.s32 v1, v3;
	_ =	sdelay $0x1  }
0x59: {  	s1 =	rddreg [dreg:$0xb]  }
0x5a: {  	[tilespmem:s1], [sflag:$0x1] =	stream.indirect_vreg.gather [hbm4b:s3+s2], $0x80, v4, vm0, $0xb8;
	[tilespmem:$0x10100] =	vst v63  }
0x5b: {  	s4 =	rddreg [dreg:$0xc]  }
0x5c: {  	[tilespmem:s4], [sflag:$0x1] =	stream.indirect_vreg.gather [hbm4b:s3+s2], $0x80, v3, vm0, $0xb8;
	[tilespmem:$0x10100] =	vst v63  }
0x5d: {  	v3 =	vld [tilespmem:$0x50];
	_ =	sdelay $0x4  }
0x5e: {  	v53 =	vshll.u32 v3, $0x1  }
0x5f: {  	v3 =	vand.u32 $0x7, v3;
	v4 =	vand.u32 $0xFFFFFFF0, v53  }
0x60: {  	v3 =	vor.u32 v3, v4  }
0x61: {  	v4 =	vperm.xlane v3, v0;
	_ =	sdelay $0x1  }
0x62: {  	v3 =	vperm.xlane v3, v2;
	v4 =	vadd.s32 v1, v4;
	_ =	sdelay $0x1  }
0x63: {  	v3 =	vadd.s32 v1, v3;
	_ =	sdelay $0x1  }
0x64: {  	s1 =	rddreg [dreg:$0xd]  }
0x65: {  	[tilespmem:s1], [sflag:$0x1] =	stream.indirect_vreg.gather [hbm4b:s3+s2], $0x80, v4, vm0, $0xb8;
	[tilespmem:$0x10100] =	vst v63  }
0x66: {  	s4 =	rddreg [dreg:$0xe]  }
0x67: {  	[tilespmem:s4], [sflag:$0x1] =	stream.indirect_vreg.gather [hbm4b:s3+s2], $0x80, v3, vm0, $0xb8;
	[tilespmem:$0x10100] =	vst v63  }
0x68: {  	v3 =	vld [tilespmem:$0x60];
	_ =	sdelay $0x4  }
0x69: {  	v54 =	vshll.u32 v3, $0x1  }
0x6a: {  	v3 =	vand.u32 $0x7, v3;
	v4 =	vand.u32 $0xFFFFFFF0, v54  }
0x6b: {  	v3 =	vor.u32 v3, v4  }
0x6c: {  	v4 =	vperm.xlane v3, v0;
	_ =	sdelay $0x1  }
0x6d: {  	v3 =	vperm.xlane v3, v2;
	v4 =	vadd.s32 v1, v4;
	_ =	sdelay $0x1  }
0x6e: {  	v3 =	vadd.s32 v1, v3;
	_ =	sdelay $0x1  }
0x6f: {  	s1 =	rddreg [dreg:$0xf]  }
0x70: {  	[tilespmem:s1], [sflag:$0x1] =	stream.indirect_vreg.gather [hbm4b:s3+s2], $0x80, v4, vm0, $0xb8;
	[tilespmem:$0x10100] =	vst v63  }
0x71: {  	s4 =	rddreg [dreg:$0x10]  }
0x72: {  	[tilespmem:s4], [sflag:$0x1] =	stream.indirect_vreg.gather [hbm4b:s3+s2], $0x80, v3, vm0, $0xb8;
	[tilespmem:$0x10100] =	vst v63  }
0x73: {  	v3 =	vld [tilespmem:$0x70];
	_ =	sdelay $0x4  }
0x74: {  	v55 =	vshll.u32 v3, $0x1  }
0x75: {  	v3 =	vand.u32 $0x7, v3;
	v4 =	vand.u32 $0xFFFFFFF0, v55  }
0x76: {  	v3 =	vor.u32 v3, v4  }
0x77: {  	v4 =	vperm.xlane v3, v0;
	_ =	sdelay $0x1  }
0x78: {  	v3 =	vperm.xlane v3, v2;
	v4 =	vadd.s32 v1, v4;
	_ =	sdelay $0x1  }
0x79: {  	v3 =	vadd.s32 v1, v3  }
0x7a: {  	s0 =	rddreg [dreg:$0x12]  }
0x7b: {  	s4 =	rddreg [dreg:$0x11]  }
0x7c: {  	[tilespmem:s4], [sflag:$0x1] =	stream.indirect_vreg.gather [hbm4b:s3+s2], $0x80, v4, vm0, $0xb8;
	[tilespmem:$0x10100] =	vst v63  }
0x7d: {  	s1 =	rddreg [dreg:$0x2]  }
0x7e: {  	[tilespmem:s0], [sflag:$0x1] =	stream.indirect_vreg.gather [hbm4b:s3+s2], $0x80, v3, vm0, $0xb8;
	[tilespmem:$0x10100] =	vst v63  }
0x7f: {  	s1 =	sadd.s32 s31, s1;
	s4 =	rddreg [dreg:$0x13]  }
0x80: {  	[tilespmem:s4], [sflag:$0x5] =	stream.linear.gather [hbm4b:s1+s2], $0x80, $0x38;
	[tilespmem:$0x10100] =	vst v63  }
0x81: {  	_ =	swait.ge [sflag:s6], $0x80  }
0x82: {  	[sflag:s6] =	ssyncset.done $0x0  }
0x83: {  	[sflag:s6] =	ssyncadd.s32 $0xFFFFFF80  }
0x84: {  	v3 =	vld [tilespmem:$0x80];
	_ =	sdelay $0x4  }
0x85: {  	v56 =	vshll.u32 v3, $0x1  }
0x86: {  	v3 =	vand.u32 $0x7, v3;
	v4 =	vand.u32 $0xFFFFFFF0, v56  }
0x87: {  	v3 =	vor.u32 v3, v4  }
0x88: {  	v4 =	vperm.xlane v3, v0;
	_ =	sdelay $0x1  }
0x89: {  	v3 =	vperm.xlane v3, v2;
	v4 =	vadd.s32 v1, v4;
	_ =	sdelay $0x1  }
0x8a: {  	v3 =	vadd.s32 v1, v3;
	_ =	sdelay $0x2  }
0x8b: {  	[tilespmem:s8], [sflag:$0x2] =	stream.indirect_vreg.gather [hbm4b:s3+s2], $0x80, v4, vm0, $0xb8;
	[tilespmem:$0x10100] =	vst v63  }
0x8c: {  	_ = 	snop  }
0x8d: {  	[tilespmem:s9], [sflag:$0x2] =	stream.indirect_vreg.gather [hbm4b:s3+s2], $0x80, v3, vm0, $0xb8;
	[tilespmem:$0x10100] =	vst v63  }
0x8e: {  	v3 =	vld [tilespmem:$0x90];
	_ =	sdelay $0x4  }
0x8f: {  	v57 =	vshll.u32 v3, $0x1  }
0x90: {  	v3 =	vand.u32 $0x7, v3;
	v4 =	vand.u32 $0xFFFFFFF0, v57  }
0x91: {  	v3 =	vor.u32 v3, v4  }
0x92: {  	v4 =	vperm.xlane v3, v0;
	_ =	sdelay $0x1  }
0x93: {  	v3 =	vperm.xlane v3, v2;
	v4 =	vadd.s32 v1, v4;
	_ =	sdelay $0x1  }
0x94: {  	v3 =	vadd.s32 v1, v3;
	_ =	sdelay $0x2  }
0x95: {  	[tilespmem:s10], [sflag:$0x2] =	stream.indirect_vreg.gather [hbm4b:s3+s2], $0x80, v4, vm0, $0xb8;
	[tilespmem:$0x10100] =	vst v63  }
0x96: {  	_ = 	snop  }
0x97: {  	[tilespmem:s11], [sflag:$0x2] =	stream.indirect_vreg.gather [hbm4b:s3+s2], $0x80, v3, vm0, $0xb8;
	[tilespmem:$0x10100] =	vst v63  }
0x98: {  	v3 =	vld [tilespmem:$0xA0];
	_ =	sdelay $0x4  }
0x99: {  	v58 =	vshll.u32 v3, $0x1  }
0x9a: {  	v3 =	vand.u32 $0x7, v3;
	v4 =	vand.u32 $0xFFFFFFF0, v58  }
0x9b: {  	v3 =	vor.u32 v3, v4  }
0x9c: {  	v4 =	vperm.xlane v3, v0;
	_ =	sdelay $0x1  }
0x9d: {  	v3 =	vperm.xlane v3, v2;
	v4 =	vadd.s32 v1, v4;
	_ =	sdelay $0x1  }
0x9e: {  	v3 =	vadd.s32 v1, v3;
	_ =	sdelay $0x2  }
0x9f: {  	[tilespmem:s12], [sflag:$0x2] =	stream.indirect_vreg.gather [hbm4b:s3+s2], $0x80, v4, vm0, $0xb8;
	[tilespmem:$0x10100] =	vst v63  }
0xa0: {  	_ = 	snop  }
0xa1: {  	[tilespmem:s13], [sflag:$0x2] =	stream.indirect_vreg.gather [hbm4b:s3+s2], $0x80, v3, vm0, $0xb8;
	[tilespmem:$0x10100] =	vst v63  }
0xa2: {  	v3 =	vld [tilespmem:$0xB0];
	_ =	sdelay $0x4  }
0xa3: {  	v59 =	vshll.u32 v3, $0x1  }
0xa4: {  	v3 =	vand.u32 $0x7, v3;
	v4 =	vand.u32 $0xFFFFFFF0, v59  }
0xa5: {  	v3 =	vor.u32 v3, v4  }
0xa6: {  	v4 =	vperm.xlane v3, v0;
	_ =	sdelay $0x1  }
0xa7: {  	v3 =	vperm.xlane v3, v2;
	v4 =	vadd.s32 v1, v4;
	_ =	sdelay $0x1  }
0xa8: {  	v3 =	vadd.s32 v1, v3;
	_ =	sdelay $0x2  }
0xa9: {  	[tilespmem:s14], [sflag:$0x2] =	stream.indirect_vreg.gather [hbm4b:s3+s2], $0x80, v4, vm0, $0xb8;
	[tilespmem:$0x10100] =	vst v63  }
0xaa: {  	_ = 	snop  }
0xab: {  	[tilespmem:s15], [sflag:$0x2] =	stream.indirect_vreg.gather [hbm4b:s3+s2], $0x80, v3, vm0, $0xb8;
	[tilespmem:$0x10100] =	vst v63  }
0xac: {  	v3 =	vld [tilespmem:$0xC0];
	_ =	sdelay $0x4  }
0xad: {  	v60 =	vshll.u32 v3, $0x1  }
0xae: {  	v3 =	vand.u32 $0x7, v3;
	v4 =	vand.u32 $0xFFFFFFF0, v60  }
0xaf: {  	v3 =	vor.u32 v3, v4  }
0xb0: {  	v4 =	vperm.xlane v3, v0;
	_ =	sdelay $0x1  }
0xb1: {  	v3 =	vperm.xlane v3, v2;
	v4 =	vadd.s32 v1, v4;
	_ =	sdelay $0x1  }
0xb2: {  	v3 =	vadd.s32 v1, v3;
	_ =	sdelay $0x2  }
0xb3: {  	[tilespmem:s16], [sflag:$0x2] =	stream.indirect_vreg.gather [hbm4b:s3+s2], $0x80, v4, vm0, $0xb8;
	[tilespmem:$0x10100] =	vst v63  }
0xb4: {  	_ = 	snop  }
0xb5: {  	[tilespmem:s17], [sflag:$0x2] =	stream.indirect_vreg.gather [hbm4b:s3+s2], $0x80, v3, vm0, $0xb8;
	[tilespmem:$0x10100] =	vst v63  }
0xb6: {  	v3 =	vld [tilespmem:$0xD0];
	_ =	sdelay $0x4  }
0xb7: {  	v61 =	vshll.u32 v3, $0x1  }
0xb8: {  	v3 =	vand.u32 $0x7, v3;
	v4 =	vand.u32 $0xFFFFFFF0, v61  }
0xb9: {  	v3 =	vor.u32 v3, v4  }
0xba: {  	v4 =	vperm.xlane v3, v0;
	_ =	sdelay $0x1  }
0xbb: {  	v3 =	vperm.xlane v3, v2;
	v4 =	vadd.s32 v1, v4;
	_ =	sdelay $0x1  }
0xbc: {  	v3 =	vadd.s32 v1, v3;
	_ =	sdelay $0x2  }
0xbd: {  	[tilespmem:s18], [sflag:$0x2] =	stream.indirect_vreg.gather [hbm4b:s3+s2], $0x80, v4, vm0, $0xb8;
	[tilespmem:$0x10100] =	vst v63  }
0xbe: {  	_ = 	snop  }
0xbf: {  	[tilespmem:s19], [sflag:$0x2] =	stream.indirect_vreg.gather [hbm4b:s3+s2], $0x80, v3, vm0, $0xb8;
	[tilespmem:$0x10100] =	vst v63  }
0xc0: {  	v3 =	vld [tilespmem:$0xE0];
	_ =	sdelay $0x4  }
0xc1: {  	v62 =	vshll.u32 v3, $0x1  }
0xc2: {  	v3 =	vand.u32 $0x7, v3;
	v4 =	vand.u32 $0xFFFFFFF0, v62  }
0xc3: {  	v3 =	vor.u32 v3, v4  }
0xc4: {  	v4 =	vperm.xlane v3, v0;
	_ =	sdelay $0x1  }
0xc5: {  	v3 =	vperm.xlane v3, v2;
	v4 =	vadd.s32 v1, v4;
	_ =	sdelay $0x1  }
0xc6: {  	v3 =	vadd.s32 v1, v3;
	_ =	sdelay $0x2  }
0xc7: {  	[tilespmem:s20], [sflag:$0x2] =	stream.indirect_vreg.gather [hbm4b:s3+s2], $0x80, v4, vm0, $0xb8;
	[tilespmem:$0x10100] =	vst v63  }
0xc8: {  	_ = 	snop  }
0xc9: {  	[tilespmem:s21], [sflag:$0x2] =	stream.indirect_vreg.gather [hbm4b:s3+s2], $0x80, v3, vm0, $0xb8;
	[tilespmem:$0x10100] =	vst v63  }
0xca: {  	v3 =	vld [tilespmem:$0xF0];
	_ =	sdelay $0x4  }
0xcb: {  	v63 =	vshll.u32 v3, $0x1  }
0xcc: {  	v3 =	vand.u32 $0x7, v3;
	v4 =	vand.u32 $0xFFFFFFF0, v63  }
0xcd: {  	v3 =	vor.u32 v3, v4  }
0xce: {  	v4 =	vperm.xlane v3, v0;
	_ =	sdelay $0x1  }
0xcf: {  	v3 =	vperm.xlane v3, v2;
	v4 =	vadd.s32 v1, v4;
	_ =	sdelay $0x1  }
0xd0: {  	v3 =	vadd.s32 v1, v3;
	_ =	sdelay $0x2  }
0xd1: {  	[tilespmem:s22], [sflag:$0x2] =	stream.indirect_vreg.gather [hbm4b:s3+s2], $0x80, v4, vm0, $0xb8;
	[tilespmem:$0x10100] =	vst v63  }
0xd2: {  	_ = 	snop  }
0xd3: {  	[tilespmem:s23], [sflag:$0x2] =	stream.indirect_vreg.gather [hbm4b:s3+s2], $0x80, v3, vm0, $0xb8;
	[tilespmem:$0x10100] =	vst v63  }
0xd4: {  	_ =	swait.ge [sflag:s24], $0x8000  }
0xd5: {  	[sflag:s24] =	ssyncset.done $0x0  }
0xd6: {  	[sflag:s24] =	ssyncadd.s32 $0xFFFF8000  }
0xd7: {  	[hbm4b:s30+s2] =	stream.linear.scatter [tilespmem:s7], [sflag:$0x3], $0x8000, $0x38;
	[tilespmem:$0x10100] =	vst v63  }
0xd8: {  	_ =	swait.ge [sflag:s25], $0x8000  }
0xd9: {  	[sflag:s25] =	ssyncset.done $0x0  }
0xda: {  	s4 =	sadd.s32 $0x1000, s30;
	[sflag:s25] =	ssyncadd.s32 $0xFFFF8000  }
0xdb: {  	[hbm4b:s4+s2] =	stream.linear.scatter [tilespmem:s8], [sflag:$0x4], $0x8000, $0x38;
	[tilespmem:$0x10100] =	vst v63  }
0xdc: {  	p0 =	sne.s32 s31, $0x260;
	_ =	swait.ge [sflag:s26], $0x8000  }
.Ltmp0:
0xdd: {  	[sflag:s26] =	ssyncset.done $0x0;
	(pc) =	sbr.rel @p0 .LBB2_2-.Ltmp0, $4  }
0xde: {  	[sflag:s26] =	ssyncadd.s32 $0xFFFF8000  }
0xdf: {  	_ =	swait.ge [sflag:s28], $0x8000  }
0xe0: {  	[sflag:s28] =	ssyncset.done $0x0  }
0xe1: {  	s31 =	sadd.s32 $0x20, s31;
	s30 =	sadd.s32 $0x2000, s30;
	[sflag:s28] =	ssyncadd.s32 $0xFFFF8000  }
0xe2: {  	s29 =	sadd.s32 $0x1, s29;
	s0 =	rddreg [dreg:$0x14]  }
0xe3: {  	p0 =	sne.s32 s29, s0  }
.Ltmp1:
0xe4: {  	_ = 	snop;
	(pc) =	sbr.rel @p0 .LBB2_1-.Ltmp1, $1  }
0xe5: {  	_ =	sdelay $0x3  }
0xe6: {  	_ =	sfence.sel $0x180000  }
0xe7: {  	[bflag:$0x0] =	sbarrier.arrive $0xFFFF  }
0xe8: {  	_ =	strace $0x9000004A  }
0xe9: {  	s0 =	stileid.u32;
	[bflag:$0x2] =	sbarrier.arrive $0xFFFF  }
0xea: {  	p0 =	sne.s32 s0, $0x0;
	s0 =	rddreg [dreg:$0x1]  }
0xeb: {  	s0 =	sadd.s32 @!p0 $0x100000, s0  }
0xec: {  	[sflag:s0] =	ssyncadd.tile.s32 @!p0 $0x1;
	_ =	shalt  }
.Lfunc_end2:
_tile_overlayer_lowered:
.L_overlay_start_2:
0xed: {  	(tag) =	ssettag $0x2  }
0xee: {  	s0 =	rddreg [dreg:$0x0];
	s2 =	stileid.u32  }
0xef: {  	s1 =	rddreg [dreg:$0x1];
	p0 =	sne.s32 s2, $0x0  }
0xf0: {  	s3 =	rddreg [dreg:$0x2];
	[bflag:$0x3] =	sbarrier.arrive $0xFFFF;
	s2 =	simm.s32 @!p0 $0x1C05  }
0xf1: {  	[timem:s3], [sflag:s2] =	dma.local @!p0 [hbm:s0], s1  }
0xf2: {  	s0 =	simm.s32 @!p0 $0x5  }
0xf3: {  	_ =	swait.ge @!p0 [sflag:s0], s1  }
0xf4: {  	s1 =	ssub.s32 @!p0 $0x0, s1;
	[sflag:s0] =	ssyncset.done @!p0 $0x0  }
0xf5: {  	[sflag:s0] =	ssyncadd.s32 @!p0 s1  }
0xf6: {  	[bflag:$0x3] =	sbarrier.arrive $0xFFFF  }
0xf7: {  	_ =	shalt  }

// kernel: kernel.7.cloned.1.call-start
scs
__scs_entry_jumppad:
0x0: {  	(pc) =	sbr.rel $0x88, $3  }
0x1: {  	(tag) =	ssettag $0x0;
	lr =	simm.s32 $0x1  }
0x2: {  	[smem:$0x3F8B] =	sst lr;
	_ =	strace $0xD0000000  }
0x3: {  	_ = 	snop  }
0x4: {  	_ = 	snop  }
0x5: {  	_ = 	snop  }
0x6: {  	_ = 	snop  }
0x7: {  	_ = 	snop  }
__scs_overlays_trampoline_lowered:
0x8: {  	[smem:$0x3F9A] =	sst s0  }
0x9: {  	[smem:$0x3F9B] =	sst s1  }
0xa: {  	[smem:$0x3F9C] =	sst s2  }
0xb: {  	[smem:$0x3F9D] =	sst s3  }
0xc: {  	[smem:$0x3F9E] =	sst s4  }
0xd: {  	[smem:$0x3F9F] =	sst s5  }
0xe: {  	[smem:$0x3FA0] =	sst s6  }
0xf: {  	[smem:$0x3FA1] =	sst s7  }
0x10: {  	[smem:$0x3FA2] =	sst s8  }
0x11: {  	[smem:$0x3FA3] =	sst s9;
	s0 =	simm.s32 @!p0 $0x0  }
0x12: {  	s1 =	sld [smem:$0x3F89];
	s0 =	simm.s32 @p0 $0x1  }
0x13: {  	[smem:$0x3FA4] =	sst s0;
	s0 =	simm.s32 @!p1 $0x0  }
0x14: {  	s2 =	sld [smem:$0x3F88];
	s0 =	simm.s32 @p1 $0x1  }
0x15: {  	[smem:$0x3FA5] =	sst s0;
	s0 =	simm.s32 @!p2 $0x0  }
0x16: {  	s3 =	sld [smem:$0x3FDB];
	s0 =	simm.s32 @p2 $0x1  }
0x17: {  	s4 =	simm.s32 $0x1BF5;
	[smem:$0x3FA7] =	sst s0  }
0x18: {  	s0 =	sld [smem:$0x3F8A];
	_ =	swait.ge [sflag:s4], $0x0  }
0x19: {  	s7 =	sld [smem:$0x3F8B]  }
0x1a: {  	s8 =	sadd.s32 $0xFFFFE003, lr  }
0x1b: {  	s9 =	sadd.s32 $0xFFFFFEF7, lr;
	s5 =	simm.s32 $0xFFFFFFFF;
	p2 =	slt.u32 s8, $0xFFFFF086  }
0x1c: {  	p1 =	slt.u32 s9, $0xF7A;
	s5 =	simm.s32 @!p2 $0x0  }
0x1d: {  	s5 =	simm.s32 @p1 $0x1;
	p0 =	seq.s32 s7, s2  }
0x1e: {  	s7 =	smul.u32 @!p0 $0xF7A, s2;
	p2 =	seq.s32 @!p0 s5, $0x0  }
0x1f: {  	s9 =	smul.u32 $0xF7A, s1;
	s8 =	simm.s32 @!p0 $0x1BF5;
	p2 =	por !p2, p0  }
0x20: {  	[sflag:s8] =	ssyncset.s32 @!p0 $0xFFFFF086;
	s6 =	sadd.s32 @!p0 s3, s7;
	s7 =	simm.s32 @!p0 $0x108  }
0x21: {  	s3 =	sadd.s32 s3, s9;
	s6 =	sadd.s32 @!p0 $0x88, s6;
	s7 =	simm.s32 @p2 $0x1082  }
0x22: {  	[simem:s7], [sflag:s8] =	dma.local @!p0 [hbm:s6], $0xF7A  }
0x23: {  	s9 =	sor.u32 $0xD0000000, s2;
	s6 =	simm.s32 $0x108;
	_ =	swait.ge @!p0 [sflag:s8], $0x0  }
0x24: {  	s3 =	sadd.s32 $0x88, s3;
	s6 =	simm.s32 @!p1 $0x1082;
	[sflag:s4] =	ssyncset.s32 $0xFFFFF086  }
0x25: {  	[simem:s6], [sflag:s4] =	dma.local [hbm:s3], $0xF7A  }
0x26: {  	[smem:$0x3F8B] =	sst s1;
	(tag) =	ssettag s2;
	_ =	strace s9  }
0x27: {  	s1 =	sld [smem:$0x3F9B]  }
0x28: {  	s2 =	sld [smem:$0x3F9C]  }
0x29: {  	s4 =	sld [smem:$0x3F9E]  }
0x2a: {  	p0 =	seq.s32 s5, $0x0;
	s5 =	sld [smem:$0x3F9F]  }
0x2b: {  	s6 =	sld [smem:$0x3FA0]  }
0x2c: {  	s7 =	sld [smem:$0x3FA1]  }
0x2d: {  	s3 =	simm.s32 $0x108;
	s8 =	sld [smem:$0x3FA2]  }
0x2e: {  	s3 =	simm.s32 @!p0 $0x1082;
	s9 =	sld [smem:$0x3FA3]  }
0x2f: {  	lr =	sadd.s32 s0, s3;
	s0 =	sld [smem:$0x3F9A]  }
0x30: {  	s3 =	sld [smem:$0x3F9D]  }
0x31: {  	[smem:$0x3FA6] =	sst s10  }
0x32: {  	s10 =	sld [smem:$0x3FA4];
	_ =	sdelay $0x3  }
0x33: {  	p0 =	seq.s32 s10, $0x1;
	s10 =	sld [smem:$0x3FA6];
	_ =	sdelay $0x3  }
0x34: {  	[smem:$0x3FA6] =	sst s10  }
0x35: {  	s10 =	sld [smem:$0x3FA5];
	_ =	sdelay $0x3  }
0x36: {  	p1 =	seq.s32 s10, $0x1;
	s10 =	sld [smem:$0x3FA6];
	_ =	sdelay $0x3  }
0x37: {  	[smem:$0x3FA6] =	sst s10  }
0x38: {  	s10 =	sld [smem:$0x3FA7]  }
0x39: {  	_ = 	snop;
	(pc) =	sbr.ind lr, $3  }
0x3a: {  	_ = 	snop  }
0x3b: {  	_ = 	snop  }
0x3c: {  	p2 =	seq.s32 s10, $0x1;
	s10 =	sld [smem:$0x3FA6]  }
0x3d: {  	_ =	shalt  }
0x3e: {  	_ =	shalt  }
0x3f: {  	_ =	shalt  }
0x40: {  	_ =	shalt  }
0x41: {  	_ =	shalt  }
0x42: {  	_ =	shalt  }
0x43: {  	_ =	shalt  }
0x44: {  	_ =	shalt  }
0x45: {  	_ =	shalt  }
0x46: {  	_ =	shalt  }
0x47: {  	_ =	shalt  }
0x48: {  	_ =	shalt  }
0x49: {  	_ =	shalt  }
0x4a: {  	_ =	shalt  }
0x4b: {  	_ =	shalt  }
0x4c: {  	_ =	shalt  }
0x4d: {  	_ =	shalt  }
0x4e: {  	_ =	shalt  }
0x4f: {  	_ =	shalt  }
0x50: {  	_ =	shalt  }
0x51: {  	_ =	shalt  }
0x52: {  	_ =	shalt  }
0x53: {  	_ =	shalt  }
0x54: {  	_ =	shalt  }
0x55: {  	_ =	shalt  }
0x56: {  	_ =	shalt  }
0x57: {  	_ =	shalt  }
0x58: {  	_ =	shalt  }
0x59: {  	_ =	shalt  }
0x5a: {  	_ =	shalt  }
0x5b: {  	_ =	shalt  }
0x5c: {  	_ =	shalt  }
0x5d: {  	_ =	shalt  }
0x5e: {  	_ =	shalt  }
0x5f: {  	_ =	shalt  }
0x60: {  	_ =	shalt  }
0x61: {  	_ =	shalt  }
0x62: {  	_ =	shalt  }
0x63: {  	_ =	shalt  }
0x64: {  	_ =	shalt  }
0x65: {  	_ =	shalt  }
0x66: {  	_ =	shalt  }
0x67: {  	_ =	shalt  }
0x68: {  	_ =	shalt  }
0x69: {  	_ =	shalt  }
0x6a: {  	_ =	shalt  }
0x6b: {  	_ =	shalt  }
0x6c: {  	_ =	shalt  }
0x6d: {  	_ =	shalt  }
0x6e: {  	_ =	shalt  }
0x6f: {  	_ =	shalt  }
0x70: {  	_ =	shalt  }
0x71: {  	_ =	shalt  }
0x72: {  	_ =	shalt  }
0x73: {  	_ =	shalt  }
0x74: {  	_ =	shalt  }
0x75: {  	_ =	shalt  }
0x76: {  	_ =	shalt  }
0x77: {  	_ =	shalt  }
0x78: {  	_ =	shalt  }
0x79: {  	_ =	shalt  }
0x7a: {  	_ =	shalt  }
0x7b: {  	_ =	shalt  }
0x7c: {  	_ =	shalt  }
0x7d: {  	_ =	shalt  }
0x7e: {  	_ =	shalt  }
0x7f: {  	_ =	shalt  }
0x80: {  	_ =	shalt  }
0x81: {  	_ =	shalt  }
0x82: {  	_ =	shalt  }
0x83: {  	_ =	shalt  }
0x84: {  	_ =	shalt  }
0x85: {  	_ =	shalt  }
0x86: {  	_ =	shalt  }
0x87: {  	_ =	shalt  }
.Lfunc_end0:
.L_simem_size_0:
called_computation_lowered:
.L_overlay_start_0:
0x88: {  	s2 =	sld [smem:$0x3FD9]  }
0x89: {  	s3 =	sld [smem:$0x3FFE];
	_ =	sdelay $0x1  }
0x8a: {  	s1 =	srdreg.scid  }
0x8b: {  	s0 =	sand.u32 $0x1, s1  }
0x8c: {  	s16 =	sshll.u32 s0, $0xA;
	s2 =	sadd.s32 s3, s2  }
0x8d: {  	s2 =	sadd.s32 s2, s16  }
0x8e: {  	[smem:$0x3FB2] =	sst s2  }
0x8f: {  	_ = 	snop  }
0x90: {  	(tm) =	ssettm $0x1  }
0x91: {  	s17 =	sld [smem:$0x3FFB];
	_ =	sdelay $0x3  }
0x92: {  	_ =	strace s17  }
0x93: {  	s2 =	sld [smem:$0x3FFC];
	_ =	sdelay $0x3  }
0x94: {  	_ =	strace s2  }
0x95: {  	s2 =	sld [smem:$0x3FFD];
	_ =	sdelay $0x3  }
0x96: {  	_ =	strace s2  }
0x97: {  	_ =	strace $0x8FFFFFFF  }
0x98: {  	s18 =	sld [smem:$0x3FDB];
	_ =	sdelay $0x1  }
0x99: {  	s19 =	simm.s32 $_scs_section_size  }
0x9a: {  	s4 =	simm.s32 $_size__tile_overlayer_lowered;
	s5 =	simm.s32 $_tile_overlayer_lowered  }
0x9b: {  	s22 =	simm.s32 $0x1BFF;
	s21 =	sshll.u32 s5, $0x1;
	s2 =	sadd.s32 s19, s18  }
0x9c: {  	s6 =	simm.s32 $0x0;
	s20 =	sshll.u32 s4, $0x1;
	s4 =	sadd.s32 s21, s2  }
0x9d: {  	[timem:s6], [sflag:s22] =	dma.local [hbm:s4], s20  }
0x9e: {  	_ =	swait.ge [sflag:s22], s20  }
0x9f: {  	s3 =	ssub.s32 $0x0, s20;
	[sflag:s22] =	ssyncset.done $0x0  }
0xa0: {  	[sflag:s22] =	ssyncadd.s32 s3;
	_ =	sdelay $0x1  }
0xa1: {  	s23 =	simm.s32 $0x1B8B  }
0xa2: {  	_ =	swait.ge [sflag:s23], $0x1  }
0xa3: {  	[sflag:s23] =	ssyncset.done $0x0  }
0xa4: {  	s25 =	simm.s32 $0x1B8E;
	s24 =	sld [smem:$0x3FFE];
	[sflag:s23] =	ssyncadd.s32 $0xFFFFFFFF  }
0xa5: {  	s26 =	simm.s32 $execute0_lowered;
	[smem:$0x3FD2] =	sst s25  }
0xa6: {  	s4 =	sshll.u32 s26, $0x1;
	_ =	strace $0x80000046;
	[dreg:$0x1] =	wrdreg $0xFFFFFFFF  }
0xa7: {  	s28 =	simm.s32 $_size_execute0_lowered;
	s2 =	sadd.s32 s2, s4;
	[dreg:$0x0] =	wrdreg $0x0  }
0xa8: {  	s4 =	sshll.u32 s28, $0x1;
	[dreg:$0x2] =	wrdreg s2  }
0xa9: {  	[dreg:$0x3] =	wrdreg s4  }
0xaa: {  	[dreg:$0x4] =	wrdreg $0xC0  }
0xab: {  	_ =	task [dreg:s6], $0x5FFFF  }
0xac: {  	[dreg:$0x1] =	wrdreg $0xFFFFFFFF  }
0xad: {  	[dreg:$0x0] =	wrdreg $0x60  }
0xae: {  	[dreg:$0x2] =	wrdreg s24  }
0xaf: {  	[dreg:$0x3] =	wrdreg $0x9  }
0xb0: {  	_ =	task.clear_ibuf [dreg:s6], $0x4FFFF;
	_ =	strace $0x90000046  }
0xb1: {  	s29 =	simm.s32 $0x9;
	_ =	strace $0x80000048  }
0xb2: {  	_ =	swait.ge [sflag:s29], $0x1  }
0xb3: {  	[sflag:s29] =	ssyncadd.s32 $0xFFFFFFFF  }
0xb4: {  	_ =	strace $0x90000048  }
0xb5: {  	_ =	sfence  }
0xb6: {  	s30 =	sld [smem:$0x0];
	_ =	sdelay $0x2  }
0xb7: {  	s31 =	sshll.u32 s1, $0xD;
	s1 =	sshrl.u32 s1, $0x2  }
0xb8: {  	s3 =	sand.u32 $0x4000, s31;
	s1 =	sadd.s32 s1, s30  }
0xb9: {  	s0 =	sor.u32 s3, s0;
	s1 =	sshll.u32 s1, $0x11  }
0xba: {  	s0 =	sor.u32 s1, s0  }
0xbb: {  	s0 =	sadd.s32 $0x8F2B, s0  }
0xbc: {  	[sflag:s0] =	ssyncadd.remote.s32 $0x1  }
0xbd: {  	_ =	sfence.sel $0xFFFF  }
0xbe: {  	[dreg:$0x0] =	wrdreg $0xFFFFFFFF;
	(pc) =	sbr.abs _section_cstart, $3  }
0xbf: {  	[dreg:$0x1] =	wrdreg $0xFFFFFFFF  }
0xc0: {  	_ =	task.clear_ibuf [dreg:s6], $0x2FFFF;
	_ =	strace $0x9FFFFFFF  }
0xc1: {  	(tm) =	ssettm $0x7FFFFFFF  }
tec
execute0_lowered:
.L_overlay_start_1:
0x0: {  	(tag) =	ssettag $0x1  }
0x1: {  	s0 =	rddreg [dreg:$0x0];
	s2 =	simm.s32 $0x0  }
0x2: {  	s4 =	stileid.u32;
	s3 =	srdreg.scid;
	s13 =	simm.s32 $0x8900  }
0x3: {  	s14 =	simm.s32 $0x9100;
	s15 =	simm.s32 $0x9900;
	s16 =	simm.s32 $0xA100  }
0x4: {  	s17 =	simm.s32 $0xA900;
	s18 =	simm.s32 $0xB100;
	s19 =	simm.s32 $0xB900  }
0x5: {  	s20 =	simm.s32 $0xC100;
	s21 =	simm.s32 $0xC900;
	s22 =	simm.s32 $0xD100  }
0x6: {  	s23 =	simm.s32 $0xD900;
	s24 =	simm.s32 $0xE100;
	s29 =	simm.s32 $0x1  }
0x7: {  	s30 =	simm.s32 $0x2;
	s31 =	simm.s32 $0x3;
	[smem:$0x7FF] =	sst s2  }
0x8: {  	s1 =	smul.u32 $0x50000, s4;
	_ =	strace $0x80000047;
	[dreg:$0x5] =	wrdreg s13  }
0x9: {  	s6 =	sand.u32 $0x1, s3;
	s7 =	smul.u32 $0x2800, s4;
	[dreg:$0x6] =	wrdreg s14  }
0xa: {  	s3 =	sadd.s32 $0x8A00, s0;
	s8 =	sadd.s32 $0x3A00, s0;
	[dreg:$0x7] =	wrdreg s15  }
0xb: {  	s28 =	sadd.s32 $0x315E00, s0;
	s5 =	sadd.s32 $0x316200, s0;
	[dreg:$0x8] =	wrdreg s16  }
0xc: {  	s26 =	sshll.u32 s4, $0x9;
	s9 =	smul.u32 $0x1400, s6;
	[dreg:$0x9] =	wrdreg s17  }
0xd: {  	s10 =	ssub.s32 $0x2, s6;
	s11 =	sshll.u32 s6, $0x8;
	[dreg:$0xa] =	wrdreg s18  }
0xe: {  	s12 =	smul.u32 $0x28000, s6;
	s13 =	simm.s32 $0x1900;
	[dreg:$0xb] =	wrdreg s19  }
0xf: {  	s14 =	simm.s32 $0x2100;
	s15 =	simm.s32 $0x2900;
	[dreg:$0xc] =	wrdreg s20  }
0x10: {  	s16 =	simm.s32 $0x3100;
	s17 =	simm.s32 $0x3900;
	[dreg:$0xd] =	wrdreg s21  }
0x11: {  	s18 =	simm.s32 $0x4100;
	s19 =	simm.s32 $0x4900;
	[dreg:$0xe] =	wrdreg s22  }
0x12: {  	s20 =	simm.s32 $0x5100;
	s21 =	simm.s32 $0x5900;
	[dreg:$0xf] =	wrdreg s23  }
0x13: {  	s22 =	simm.s32 $0x6100;
	s23 =	simm.s32 $0x6900;
	[dreg:$0x10] =	wrdreg s24  }
0x14: {  	s24 =	simm.s32 $0x7100;
	[dreg:$0x13] =	wrdreg s28;
	s1 =	sadd.s32 s1, s0  }
0x15: {  	s25 =	sshrl.u32 s10, $0x1;
	s6 =	sor.u32 s11, s26;
	s26 =	simm.s32 $0xF100  }
0x16: {  	s7 =	sadd.s32 s9, s7;
	s0 =	ssub.s32 s10, s25;
	s1 =	sadd.s32 s12, s1  }
0x17: {  	s9 =	simm.s32 $0x5;
	s12 =	simm.s32 $0x80;
	s25 =	simm.s32 $0xE900  }
0x18: {  	[dreg:$0x12] =	wrdreg s26;
	s26 =	simm.s32 $0x8100;
	s4 =	sor.u32 $0x80, s7  }
0x19: {  	s7 =	sshrl.u32 s7, $0x3;
	s0 =	smax.u32 s0, $0x1;
	[dreg:$0x4] =	wrdreg s12  }
0x1a: {  	s11 =	sadd.s32 $0x356200, s1;
	s12 =	simm.s32 $0x1100;
	[dreg:$0x11] =	wrdreg s25  }
0x1b: {  	s25 =	simm.s32 $0x7900;
	s10 =	sshrl.u32 s4, $0x3;
	[dreg:$0x14] =	wrdreg s0  }
0x1c: {  	v2 =	vlaneseq.u32;
	s7 =	sadd.s32 s7, s8;
	[dreg:$0x15] =	wrdreg s11;
	s11 =	simm.s32 $0x900  }
0x1d: {  	vm0 =	vmmov $0xffff;
	v1 =	vshrl.u32 v2, $0x3;
	s0 =	simm.s32 $0x4;
	s10 =	sadd.s32 s10, s8;
	[dreg:$0x3] =	wrdreg s7  }
0x1e: {  	v0 =	vand.u32 $0x7, v2;
	v2 =	vor.u32 $0x8, v2;
	v1 =	vmul.u32 $0x8, v1;
	s4 =	simm.s32 $0x0;
	[dreg:$0x2] =	wrdreg s10;
	s10 =	simm.s32 $0x100  }
.LBB2_1:
0x1f: {  	[dreg:$0x16] =	wrdreg s4  }
0x20: {  	s8 =	rddreg [dreg:$0x15];
	s1 =	simm.s32 $0x0  }
.LBB2_2:
0x21: {  	s7 =	rddreg [dreg:$0x3]  }
0x22: {  	s28 =	sadd.s32 s1, s7;
	s7 =	simm.s32 $0x0  }
0x23: {  	[tilespmem:s7], [sflag:$0x5] =	stream.linear.gather [hbm4b:s28+s7], $0x80, $0x38;
	[tilespmem:$0x10100] =	vst v63  }
0x24: {  	_ =	swait.ge [sflag:s9], $0x80  }
0x25: {  	[sflag:s9] =	ssyncset.done $0x0  }
0x26: {  	[sflag:s9] =	ssyncadd.s32 $0xFFFFFF80  }
0x27: {  	v3 =	vld [tilespmem:$0x0];
	_ =	sdelay $0x4  }
0x28: {  	v4 =	vshll.u32 v3, $0x1  }
0x29: {  	v3 =	vand.u32 $0x7, v3;
	v4 =	vand.u32 $0xFFFFFFF0, v4  }
0x2a: {  	v3 =	vor.u32 v3, v4  }
0x2b: {  	v4 =	vperm.xlane v3, v0;
	_ =	sdelay $0x1  }
0x2c: {  	v3 =	vperm.xlane v3, v2;
	v4 =	vadd.s32 v1, v4;
	_ =	sdelay $0x1  }
0x2d: {  	v3 =	vadd.s32 v1, v3;
	_ =	sdelay $0x2  }
0x2e: {  	[tilespmem:s10], [sflag:$0x1] =	stream.indirect_vreg.gather [hbm4b:s3+s7], $0x80, v4, vm0, $0xb8;
	[tilespmem:$0x10100] =	vst v63  }
0x2f: {  	_ = 	snop  }
0x30: {  	[tilespmem:s11], [sflag:$0x1] =	stream.indirect_vreg.gather [hbm4b:s3+s7], $0x80, v3, vm0, $0xb8;
	[tilespmem:$0x10100] =	vst v63  }
0x31: {  	v3 =	vld [tilespmem:$0x10];
	_ =	sdelay $0x4  }
0x32: {  	v49 =	vshll.u32 v3, $0x1  }
0x33: {  	v3 =	vand.u32 $0x7, v3;
	v4 =	vand.u32 $0xFFFFFFF0, v49  }
0x34: {  	v3 =	vor.u32 v3, v4  }
0x35: {  	v4 =	vperm.xlane v3, v0;
	_ =	sdelay $0x1  }
0x36: {  	v3 =	vperm.xlane v3, v2;
	v4 =	vadd.s32 v1, v4;
	_ =	sdelay $0x1  }
0x37: {  	v3 =	vadd.s32 v1, v3;
	_ =	sdelay $0x2  }
0x38: {  	[tilespmem:s12], [sflag:$0x1] =	stream.indirect_vreg.gather [hbm4b:s3+s7], $0x80, v4, vm0, $0xb8;
	[tilespmem:$0x10100] =	vst v63  }
0x39: {  	_ = 	snop  }
0x3a: {  	[tilespmem:s13], [sflag:$0x1] =	stream.indirect_vreg.gather [hbm4b:s3+s7], $0x80, v3, vm0, $0xb8;
	[tilespmem:$0x10100] =	vst v63  }
0x3b: {  	v3 =	vld [tilespmem:$0x20];
	_ =	sdelay $0x4  }
0x3c: {  	v50 =	vshll.u32 v3, $0x1  }
0x3d: {  	v3 =	vand.u32 $0x7, v3;
	v4 =	vand.u32 $0xFFFFFFF0, v50  }
0x3e: {  	v3 =	vor.u32 v3, v4  }
0x3f: {  	v4 =	vperm.xlane v3, v0;
	_ =	sdelay $0x1  }
0x40: {  	v3 =	vperm.xlane v3, v2;
	v4 =	vadd.s32 v1, v4;
	_ =	sdelay $0x1  }
0x41: {  	v3 =	vadd.s32 v1, v3;
	_ =	sdelay $0x2  }
0x42: {  	[tilespmem:s14], [sflag:$0x1] =	stream.indirect_vreg.gather [hbm4b:s3+s7], $0x80, v4, vm0, $0xb8;
	[tilespmem:$0x10100] =	vst v63  }
0x43: {  	_ = 	snop  }
0x44: {  	[tilespmem:s15], [sflag:$0x1] =	stream.indirect_vreg.gather [hbm4b:s3+s7], $0x80, v3, vm0, $0xb8;
	[tilespmem:$0x10100] =	vst v63  }
0x45: {  	v3 =	vld [tilespmem:$0x30];
	_ =	sdelay $0x4  }
0x46: {  	v51 =	vshll.u32 v3, $0x1  }
0x47: {  	v3 =	vand.u32 $0x7, v3;
	v4 =	vand.u32 $0xFFFFFFF0, v51  }
0x48: {  	v3 =	vor.u32 v3, v4  }
0x49: {  	v4 =	vperm.xlane v3, v0;
	_ =	sdelay $0x1  }
0x4a: {  	v3 =	vperm.xlane v3, v2;
	v4 =	vadd.s32 v1, v4;
	_ =	sdelay $0x1  }
0x4b: {  	v3 =	vadd.s32 v1, v3;
	_ =	sdelay $0x2  }
0x4c: {  	[tilespmem:s16], [sflag:$0x1] =	stream.indirect_vreg.gather [hbm4b:s3+s7], $0x80, v4, vm0, $0xb8;
	[tilespmem:$0x10100] =	vst v63  }
0x4d: {  	_ = 	snop  }
0x4e: {  	[tilespmem:s17], [sflag:$0x1] =	stream.indirect_vreg.gather [hbm4b:s3+s7], $0x80, v3, vm0, $0xb8;
	[tilespmem:$0x10100] =	vst v63  }
0x4f: {  	v3 =	vld [tilespmem:$0x40];
	_ =	sdelay $0x4  }
0x50: {  	v52 =	vshll.u32 v3, $0x1  }
0x51: {  	v3 =	vand.u32 $0x7, v3;
	v4 =	vand.u32 $0xFFFFFFF0, v52  }
0x52: {  	v3 =	vor.u32 v3, v4  }
0x53: {  	v4 =	vperm.xlane v3, v0;
	_ =	sdelay $0x1  }
0x54: {  	v3 =	vperm.xlane v3, v2;
	v4 =	vadd.s32 v1, v4;
	_ =	sdelay $0x1  }
0x55: {  	v3 =	vadd.s32 v1, v3;
	_ =	sdelay $0x2  }
0x56: {  	[tilespmem:s18], [sflag:$0x1] =	stream.indirect_vreg.gather [hbm4b:s3+s7], $0x80, v4, vm0, $0xb8;
	[tilespmem:$0x10100] =	vst v63  }
0x57: {  	_ = 	snop  }
0x58: {  	[tilespmem:s19], [sflag:$0x1] =	stream.indirect_vreg.gather [hbm4b:s3+s7], $0x80, v3, vm0, $0xb8;
	[tilespmem:$0x10100] =	vst v63  }
0x59: {  	v3 =	vld [tilespmem:$0x50];
	_ =	sdelay $0x4  }
0x5a: {  	v53 =	vshll.u32 v3, $0x1  }
0x5b: {  	v3 =	vand.u32 $0x7, v3;
	v4 =	vand.u32 $0xFFFFFFF0, v53  }
0x5c: {  	v3 =	vor.u32 v3, v4  }
0x5d: {  	v4 =	vperm.xlane v3, v0;
	_ =	sdelay $0x1  }
0x5e: {  	v3 =	vperm.xlane v3, v2;
	v4 =	vadd.s32 v1, v4;
	_ =	sdelay $0x1  }
0x5f: {  	v3 =	vadd.s32 v1, v3;
	_ =	sdelay $0x2  }
0x60: {  	[tilespmem:s20], [sflag:$0x1] =	stream.indirect_vreg.gather [hbm4b:s3+s7], $0x80, v4, vm0, $0xb8;
	[tilespmem:$0x10100] =	vst v63  }
0x61: {  	_ = 	snop  }
0x62: {  	[tilespmem:s21], [sflag:$0x1] =	stream.indirect_vreg.gather [hbm4b:s3+s7], $0x80, v3, vm0, $0xb8;
	[tilespmem:$0x10100] =	vst v63  }
0x63: {  	v3 =	vld [tilespmem:$0x60];
	_ =	sdelay $0x4  }
0x64: {  	v54 =	vshll.u32 v3, $0x1  }
0x65: {  	v3 =	vand.u32 $0x7, v3;
	v4 =	vand.u32 $0xFFFFFFF0, v54  }
0x66: {  	v3 =	vor.u32 v3, v4  }
0x67: {  	v4 =	vperm.xlane v3, v0;
	_ =	sdelay $0x1  }
0x68: {  	v3 =	vperm.xlane v3, v2;
	v4 =	vadd.s32 v1, v4;
	_ =	sdelay $0x1  }
0x69: {  	v3 =	vadd.s32 v1, v3;
	_ =	sdelay $0x2  }
0x6a: {  	[tilespmem:s22], [sflag:$0x1] =	stream.indirect_vreg.gather [hbm4b:s3+s7], $0x80, v4, vm0, $0xb8;
	[tilespmem:$0x10100] =	vst v63  }
0x6b: {  	_ = 	snop  }
0x6c: {  	[tilespmem:s23], [sflag:$0x1] =	stream.indirect_vreg.gather [hbm4b:s3+s7], $0x80, v3, vm0, $0xb8;
	[tilespmem:$0x10100] =	vst v63  }
0x6d: {  	v3 =	vld [tilespmem:$0x70];
	_ =	sdelay $0x4  }
0x6e: {  	v55 =	vshll.u32 v3, $0x1  }
0x6f: {  	v3 =	vand.u32 $0x7, v3;
	v4 =	vand.u32 $0xFFFFFFF0, v55  }
0x70: {  	v3 =	vor.u32 v3, v4  }
0x71: {  	v4 =	vperm.xlane v3, v0;
	_ =	sdelay $0x1  }
0x72: {  	v3 =	vperm.xlane v3, v2;
	v4 =	vadd.s32 v1, v4;
	_ =	sdelay $0x1  }
0x73: {  	v3 =	vadd.s32 v1, v3;
	_ =	sdelay $0x2  }
0x74: {  	[tilespmem:s24], [sflag:$0x1] =	stream.indirect_vreg.gather [hbm4b:s3+s7], $0x80, v4, vm0, $0xb8;
	[tilespmem:$0x10100] =	vst v63  }
0x75: {  	s28 =	rddreg [dreg:$0x2]  }
0x76: {  	[tilespmem:s25], [sflag:$0x1] =	stream.indirect_vreg.gather [hbm4b:s3+s7], $0x80, v3, vm0, $0xb8;
	[tilespmem:$0x10100] =	vst v63  }
0x77: {  	s4 =	rddreg [dreg:$0x4];
	s28 =	sadd.s32 s1, s28  }
0x78: {  	[tilespmem:s4], [sflag:$0x5] =	stream.linear.gather [hbm4b:s28+s7], $0x80, $0x38;
	[tilespmem:$0x10100] =	vst v63  }
0x79: {  	_ =	swait.ge [sflag:s9], $0x80  }
0x7a: {  	[sflag:s9] =	ssyncset.done $0x0  }
0x7b: {  	[sflag:s9] =	ssyncadd.s32 $0xFFFFFF80  }
0x7c: {  	v3 =	vld [tilespmem:$0x80];
	_ =	sdelay $0x4  }
0x7d: {  	v56 =	vshll.u32 v3, $0x1  }
0x7e: {  	v3 =	vand.u32 $0x7, v3;
	v4 =	vand.u32 $0xFFFFFFF0, v56  }
0x7f: {  	v3 =	vor.u32 v3, v4  }
0x80: {  	v4 =	vperm.xlane v3, v0;
	_ =	sdelay $0x1  }
0x81: {  	v3 =	vperm.xlane v3, v2;
	v4 =	vadd.s32 v1, v4;
	_ =	sdelay $0x1  }
0x82: {  	v3 =	vadd.s32 v1, v3;
	_ =	sdelay $0x2  }
0x83: {  	[tilespmem:s26], [sflag:$0x2] =	stream.indirect_vreg.gather [hbm4b:s3+s7], $0x80, v4, vm0, $0xb8;
	[tilespmem:$0x10100] =	vst v63  }
0x84: {  	s28 =	rddreg [dreg:$0x5]  }
0x85: {  	[tilespmem:s28], [sflag:$0x2] =	stream.indirect_vreg.gather [hbm4b:s3+s7], $0x80, v3, vm0, $0xb8;
	[tilespmem:$0x10100] =	vst v63  }
0x86: {  	v3 =	vld [tilespmem:$0x90];
	_ =	sdelay $0x4  }
0x87: {  	v57 =	vshll.u32 v3, $0x1  }
0x88: {  	v3 =	vand.u32 $0x7, v3;
	v4 =	vand.u32 $0xFFFFFFF0, v57  }
0x89: {  	v3 =	vor.u32 v3, v4  }
0x8a: {  	v4 =	vperm.xlane v3, v0;
	_ =	sdelay $0x1  }
0x8b: {  	v3 =	vperm.xlane v3, v2;
	v4 =	vadd.s32 v1, v4;
	_ =	sdelay $0x1  }
0x8c: {  	v3 =	vadd.s32 v1, v3;
	_ =	sdelay $0x1  }
0x8d: {  	s4 =	rddreg [dreg:$0x6]  }
0x8e: {  	[tilespmem:s4], [sflag:$0x2] =	stream.indirect_vreg.gather [hbm4b:s3+s7], $0x80, v4, vm0, $0xb8;
	[tilespmem:$0x10100] =	vst v63  }
0x8f: {  	s28 =	rddreg [dreg:$0x7]  }
0x90: {  	[tilespmem:s28], [sflag:$0x2] =	stream.indirect_vreg.gather [hbm4b:s3+s7], $0x80, v3, vm0, $0xb8;
	[tilespmem:$0x10100] =	vst v63  }
0x91: {  	v3 =	vld [tilespmem:$0xA0];
	_ =	sdelay $0x4  }
0x92: {  	v58 =	vshll.u32 v3, $0x1  }
0x93: {  	v3 =	vand.u32 $0x7, v3;
	v4 =	vand.u32 $0xFFFFFFF0, v58  }
0x94: {  	v3 =	vor.u32 v3, v4  }
0x95: {  	v4 =	vperm.xlane v3, v0;
	_ =	sdelay $0x1  }
0x96: {  	v3 =	vperm.xlane v3, v2;
	v4 =	vadd.s32 v1, v4;
	_ =	sdelay $0x1  }
0x97: {  	v3 =	vadd.s32 v1, v3;
	_ =	sdelay $0x1  }
0x98: {  	s4 =	rddreg [dreg:$0x8]  }
0x99: {  	[tilespmem:s4], [sflag:$0x2] =	stream.indirect_vreg.gather [hbm4b:s3+s7], $0x80, v4, vm0, $0xb8;
	[tilespmem:$0x10100] =	vst v63  }
0x9a: {  	s28 =	rddreg [dreg:$0x9]  }
0x9b: {  	[tilespmem:s28], [sflag:$0x2] =	stream.indirect_vreg.gather [hbm4b:s3+s7], $0x80, v3, vm0, $0xb8;
	[tilespmem:$0x10100] =	vst v63  }
0x9c: {  	v3 =	vld [tilespmem:$0xB0];
	_ =	sdelay $0x4  }
0x9d: {  	v59 =	vshll.u32 v3, $0x1  }
0x9e: {  	v3 =	vand.u32 $0x7, v3;
	v4 =	vand.u32 $0xFFFFFFF0, v59  }
0x9f: {  	v3 =	vor.u32 v3, v4  }
0xa0: {  	v4 =	vperm.xlane v3, v0;
	_ =	sdelay $0x1  }
0xa1: {  	v3 =	vperm.xlane v3, v2;
	v4 =	vadd.s32 v1, v4;
	_ =	sdelay $0x1  }
0xa2: {  	v3 =	vadd.s32 v1, v3;
	_ =	sdelay $0x1  }
0xa3: {  	s4 =	rddreg [dreg:$0xa]  }
0xa4: {  	[tilespmem:s4], [sflag:$0x2] =	stream.indirect_vreg.gather [hbm4b:s3+s7], $0x80, v4, vm0, $0xb8;
	[tilespmem:$0x10100] =	vst v63  }
0xa5: {  	s28 =	rddreg [dreg:$0xb]  }
0xa6: {  	[tilespmem:s28], [sflag:$0x2] =	stream.indirect_vreg.gather [hbm4b:s3+s7], $0x80, v3, vm0, $0xb8;
	[tilespmem:$0x10100] =	vst v63  }
0xa7: {  	v3 =	vld [tilespmem:$0xC0];
	_ =	sdelay $0x4  }
0xa8: {  	v60 =	vshll.u32 v3, $0x1  }
0xa9: {  	v3 =	vand.u32 $0x7, v3;
	v4 =	vand.u32 $0xFFFFFFF0, v60  }
0xaa: {  	v3 =	vor.u32 v3, v4  }
0xab: {  	v4 =	vperm.xlane v3, v0;
	_ =	sdelay $0x1  }
0xac: {  	v3 =	vperm.xlane v3, v2;
	v4 =	vadd.s32 v1, v4;
	_ =	sdelay $0x1  }
0xad: {  	v3 =	vadd.s32 v1, v3;
	_ =	sdelay $0x1  }
0xae: {  	s4 =	rddreg [dreg:$0xc]  }
0xaf: {  	[tilespmem:s4], [sflag:$0x2] =	stream.indirect_vreg.gather [hbm4b:s3+s7], $0x80, v4, vm0, $0xb8;
	[tilespmem:$0x10100] =	vst v63  }
0xb0: {  	s28 =	rddreg [dreg:$0xd]  }
0xb1: {  	[tilespmem:s28], [sflag:$0x2] =	stream.indirect_vreg.gather [hbm4b:s3+s7], $0x80, v3, vm0, $0xb8;
	[tilespmem:$0x10100] =	vst v63  }
0xb2: {  	v3 =	vld [tilespmem:$0xD0];
	_ =	sdelay $0x4  }
0xb3: {  	v61 =	vshll.u32 v3, $0x1  }
0xb4: {  	v3 =	vand.u32 $0x7, v3;
	v4 =	vand.u32 $0xFFFFFFF0, v61  }
0xb5: {  	v3 =	vor.u32 v3, v4  }
0xb6: {  	v4 =	vperm.xlane v3, v0;
	_ =	sdelay $0x1  }
0xb7: {  	v3 =	vperm.xlane v3, v2;
	v4 =	vadd.s32 v1, v4;
	_ =	sdelay $0x1  }
0xb8: {  	v3 =	vadd.s32 v1, v3;
	_ =	sdelay $0x1  }
0xb9: {  	s4 =	rddreg [dreg:$0xe]  }
0xba: {  	[tilespmem:s4], [sflag:$0x2] =	stream.indirect_vreg.gather [hbm4b:s3+s7], $0x80, v4, vm0, $0xb8;
	[tilespmem:$0x10100] =	vst v63  }
0xbb: {  	s28 =	rddreg [dreg:$0xf]  }
0xbc: {  	[tilespmem:s28], [sflag:$0x2] =	stream.indirect_vreg.gather [hbm4b:s3+s7], $0x80, v3, vm0, $0xb8;
	[tilespmem:$0x10100] =	vst v63  }
0xbd: {  	v3 =	vld [tilespmem:$0xE0];
	_ =	sdelay $0x4  }
0xbe: {  	v62 =	vshll.u32 v3, $0x1  }
0xbf: {  	v3 =	vand.u32 $0x7, v3;
	v4 =	vand.u32 $0xFFFFFFF0, v62  }
0xc0: {  	v3 =	vor.u32 v3, v4  }
0xc1: {  	v4 =	vperm.xlane v3, v0;
	_ =	sdelay $0x1  }
0xc2: {  	v3 =	vperm.xlane v3, v2;
	v4 =	vadd.s32 v1, v4;
	_ =	sdelay $0x1  }
0xc3: {  	v3 =	vadd.s32 v1, v3;
	_ =	sdelay $0x1  }
0xc4: {  	s4 =	rddreg [dreg:$0x10]  }
0xc5: {  	[tilespmem:s4], [sflag:$0x2] =	stream.indirect_vreg.gather [hbm4b:s3+s7], $0x80, v4, vm0, $0xb8;
	[tilespmem:$0x10100] =	vst v63  }
0xc6: {  	s28 =	rddreg [dreg:$0x11]  }
0xc7: {  	[tilespmem:s28], [sflag:$0x2] =	stream.indirect_vreg.gather [hbm4b:s3+s7], $0x80, v3, vm0, $0xb8;
	[tilespmem:$0x10100] =	vst v63  }
0xc8: {  	v3 =	vld [tilespmem:$0xF0];
	_ =	sdelay $0x4  }
0xc9: {  	v63 =	vshll.u32 v3, $0x1  }
0xca: {  	v3 =	vand.u32 $0x7, v3;
	v4 =	vand.u32 $0xFFFFFFF0, v63  }
0xcb: {  	v3 =	vor.u32 v3, v4  }
0xcc: {  	v4 =	vperm.xlane v3, v0;
	_ =	sdelay $0x1  }
0xcd: {  	v3 =	vperm.xlane v3, v2;
	v4 =	vadd.s32 v1, v4;
	_ =	sdelay $0x1  }
0xce: {  	v3 =	vadd.s32 v1, v3;
	_ =	sdelay $0x1  }
0xcf: {  	s28 =	rddreg [dreg:$0x12]  }
0xd0: {  	[tilespmem:s28], [sflag:$0x2] =	stream.indirect_vreg.gather [hbm4b:s3+s7], $0x80, v4, vm0, $0xb8;
	[tilespmem:$0x10100] =	vst v63  }
0xd1: {  	s28 =	simm.s32 $0xF900  }
0xd2: {  	[tilespmem:s28], [sflag:$0x2] =	stream.indirect_vreg.gather [hbm4b:s3+s7], $0x80, v3, vm0, $0xb8;
	[tilespmem:$0x10100] =	vst v63  }
0xd3: {  	_ =	swait.ge [sflag:s29], $0x8000  }
0xd4: {  	[sflag:s29] =	ssyncset.done $0x0  }
0xd5: {  	[sflag:s29] =	ssyncadd.s32 $0xFFFF8000  }
0xd6: {  	[hbm4b:s8+s7] =	stream.linear.scatter [tilespmem:s10], [sflag:$0x3], $0x8000, $0x38;
	[tilespmem:$0x10100] =	vst v63  }
0xd7: {  	_ =	swait.ge [sflag:s30], $0x8000  }
0xd8: {  	[sflag:s30] =	ssyncset.done $0x0  }
0xd9: {  	s28 =	sadd.s32 $0x1000, s8;
	[sflag:s30] =	ssyncadd.s32 $0xFFFF8000  }
0xda: {  	[hbm4b:s28+s7] =	stream.linear.scatter [tilespmem:s26], [sflag:$0x4], $0x8000, $0x38;
	[tilespmem:$0x10100] =	vst v63  }
0xdb: {  	p0 =	sne.s32 s1, $0x260;
	_ =	swait.ge [sflag:s31], $0x8000  }
.Ltmp0:
0xdc: {  	[sflag:s31] =	ssyncset.done $0x0;
	(pc) =	sbr.rel @p0 .LBB2_2-.Ltmp0, $4  }
0xdd: {  	[sflag:s31] =	ssyncadd.s32 $0xFFFF8000  }
0xde: {  	_ =	swait.ge [sflag:s0], $0x8000  }
0xdf: {  	[sflag:s0] =	ssyncset.done $0x0  }
0xe0: {  	s1 =	sadd.s32 $0x20, s1;
	s8 =	sadd.s32 $0x2000, s8;
	[sflag:s0] =	ssyncadd.s32 $0xFFFF8000  }
0xe1: {  	p0 =	por $0x1, $0x1;
	s28 =	rddreg [dreg:$0x13]  }
.LBB2_4:
0xe2: {  	s1 =	sor.u32 s6, s7  }
0xe3: {  	s4 =	sshrl.u32 s1, $0x3  }
0xe4: {  	s4 =	sadd.s32 s28, s4  }
0xe5: {  	[tilespmem:s2], [sflag:$0x5] =	stream.linear.gather [hbm4b:s4+s2], $0x80, $0x38;
	[tilespmem:$0x10100] =	vst v63  }
0xe6: {  	_ =	swait.ge [sflag:s9], $0x80  }
0xe7: {  	[sflag:s9] =	ssyncset.done $0x0  }
0xe8: {  	[sflag:s9] =	ssyncadd.s32 $0xFFFFFF80  }
0xe9: {  	v3 =	vld [tilespmem:$0x0];
	_ =	sdelay $0x4  }
0xea: {  	v4 =	vshll.u32 v3, $0x1  }
0xeb: {  	v3 =	vand.u32 $0x7, v3;
	v4 =	vand.u32 $0xFFFFFFF0, v4  }
0xec: {  	v3 =	vor.u32 v3, v4  }
0xed: {  	v4 =	vperm.xlane v3, v0;
	_ =	sdelay $0x1  }
0xee: {  	v3 =	vperm.xlane v3, v2;
	v4 =	vadd.s32 v1, v4;
	_ =	sdelay $0x1  }
0xef: {  	v3 =	vadd.s32 v1, v3;
	_ =	sdelay $0x2  }
0xf0: {  	[tilespmem:s10], [sflag:$0x1] =	stream.indirect_vreg.gather [hbm4b:s3+s2], $0x80, v4, vm0, $0xb8;
	[tilespmem:$0x10100] =	vst v63  }
0xf1: {  	_ = 	snop  }
0xf2: {  	[tilespmem:s11], [sflag:$0x1] =	stream.indirect_vreg.gather [hbm4b:s3+s2], $0x80, v3, vm0, $0xb8;
	[tilespmem:$0x10100] =	vst v63  }
0xf3: {  	v3 =	vld [tilespmem:$0x10];
	_ =	sdelay $0x4  }
0xf4: {  	v57 =	vshll.u32 v3, $0x1  }
0xf5: {  	v3 =	vand.u32 $0x7, v3;
	v4 =	vand.u32 $0xFFFFFFF0, v57  }
0xf6: {  	v3 =	vor.u32 v3, v4  }
0xf7: {  	v4 =	vperm.xlane v3, v0;
	_ =	sdelay $0x1  }
0xf8: {  	v3 =	vperm.xlane v3, v2;
	v4 =	vadd.s32 v1, v4;
	_ =	sdelay $0x1  }
0xf9: {  	v3 =	vadd.s32 v1, v3;
	_ =	sdelay $0x2  }
0xfa: {  	[tilespmem:s12], [sflag:$0x1] =	stream.indirect_vreg.gather [hbm4b:s3+s2], $0x80, v4, vm0, $0xb8;
	[tilespmem:$0x10100] =	vst v63  }
0xfb: {  	_ = 	snop  }
0xfc: {  	[tilespmem:s13], [sflag:$0x1] =	stream.indirect_vreg.gather [hbm4b:s3+s2], $0x80, v3, vm0, $0xb8;
	[tilespmem:$0x10100] =	vst v63  }
0xfd: {  	v3 =	vld [tilespmem:$0x20];
	_ =	sdelay $0x4  }
0xfe: {  	v58 =	vshll.u32 v3, $0x1  }
0xff: {  	v3 =	vand.u32 $0x7, v3;
	v4 =	vand.u32 $0xFFFFFFF0, v58  }
0x100: {  	v3 =	vor.u32 v3, v4  }
0x101: {  	v4 =	vperm.xlane v3, v0;
	_ =	sdelay $0x1  }
0x102: {  	v3 =	vperm.xlane v3, v2;
	v4 =	vadd.s32 v1, v4;
	_ =	sdelay $0x1  }
0x103: {  	v3 =	vadd.s32 v1, v3;
	_ =	sdelay $0x2  }
0x104: {  	[tilespmem:s14], [sflag:$0x1] =	stream.indirect_vreg.gather [hbm4b:s3+s2], $0x80, v4, vm0, $0xb8;
	[tilespmem:$0x10100] =	vst v63  }
0x105: {  	_ = 	snop  }
0x106: {  	[tilespmem:s15], [sflag:$0x1] =	stream.indirect_vreg.gather [hbm4b:s3+s2], $0x80, v3, vm0, $0xb8;
	[tilespmem:$0x10100] =	vst v63  }
0x107: {  	v3 =	vld [tilespmem:$0x30];
	_ =	sdelay $0x4  }
0x108: {  	v59 =	vshll.u32 v3, $0x1  }
0x109: {  	v3 =	vand.u32 $0x7, v3;
	v4 =	vand.u32 $0xFFFFFFF0, v59  }
0x10a: {  	v3 =	vor.u32 v3, v4  }
0x10b: {  	v4 =	vperm.xlane v3, v0;
	_ =	sdelay $0x1  }
0x10c: {  	v3 =	vperm.xlane v3, v2;
	v4 =	vadd.s32 v1, v4;
	_ =	sdelay $0x1  }
0x10d: {  	v3 =	vadd.s32 v1, v3;
	_ =	sdelay $0x2  }
0x10e: {  	[tilespmem:s16], [sflag:$0x1] =	stream.indirect_vreg.gather [hbm4b:s3+s2], $0x80, v4, vm0, $0xb8;
	[tilespmem:$0x10100] =	vst v63  }
0x10f: {  	_ = 	snop  }
0x110: {  	[tilespmem:s17], [sflag:$0x1] =	stream.indirect_vreg.gather [hbm4b:s3+s2], $0x80, v3, vm0, $0xb8;
	[tilespmem:$0x10100] =	vst v63  }
0x111: {  	v3 =	vld [tilespmem:$0x40];
	_ =	sdelay $0x4  }
0x112: {  	v60 =	vshll.u32 v3, $0x1  }
0x113: {  	v3 =	vand.u32 $0x7, v3;
	v4 =	vand.u32 $0xFFFFFFF0, v60  }
0x114: {  	v3 =	vor.u32 v3, v4  }
0x115: {  	v4 =	vperm.xlane v3, v0;
	_ =	sdelay $0x1  }
0x116: {  	v3 =	vperm.xlane v3, v2;
	v4 =	vadd.s32 v1, v4;
	_ =	sdelay $0x1  }
0x117: {  	v3 =	vadd.s32 v1, v3;
	_ =	sdelay $0x2  }
0x118: {  	[tilespmem:s18], [sflag:$0x1] =	stream.indirect_vreg.gather [hbm4b:s3+s2], $0x80, v4, vm0, $0xb8;
	[tilespmem:$0x10100] =	vst v63  }
0x119: {  	_ = 	snop  }
0x11a: {  	[tilespmem:s19], [sflag:$0x1] =	stream.indirect_vreg.gather [hbm4b:s3+s2], $0x80, v3, vm0, $0xb8;
	[tilespmem:$0x10100] =	vst v63  }
0x11b: {  	v3 =	vld [tilespmem:$0x50];
	_ =	sdelay $0x4  }
0x11c: {  	v61 =	vshll.u32 v3, $0x1  }
0x11d: {  	v3 =	vand.u32 $0x7, v3;
	v4 =	vand.u32 $0xFFFFFFF0, v61  }
0x11e: {  	v3 =	vor.u32 v3, v4  }
0x11f: {  	v4 =	vperm.xlane v3, v0;
	_ =	sdelay $0x1  }
0x120: {  	v3 =	vperm.xlane v3, v2;
	v4 =	vadd.s32 v1, v4;
	_ =	sdelay $0x1  }
0x121: {  	v3 =	vadd.s32 v1, v3;
	_ =	sdelay $0x2  }
0x122: {  	[tilespmem:s20], [sflag:$0x1] =	stream.indirect_vreg.gather [hbm4b:s3+s2], $0x80, v4, vm0, $0xb8;
	[tilespmem:$0x10100] =	vst v63  }
0x123: {  	_ = 	snop  }
0x124: {  	[tilespmem:s21], [sflag:$0x1] =	stream.indirect_vreg.gather [hbm4b:s3+s2], $0x80, v3, vm0, $0xb8;
	[tilespmem:$0x10100] =	vst v63  }
0x125: {  	v3 =	vld [tilespmem:$0x60];
	_ =	sdelay $0x4  }
0x126: {  	v62 =	vshll.u32 v3, $0x1  }
0x127: {  	v3 =	vand.u32 $0x7, v3;
	v4 =	vand.u32 $0xFFFFFFF0, v62  }
0x128: {  	v3 =	vor.u32 v3, v4  }
0x129: {  	v4 =	vperm.xlane v3, v0;
	_ =	sdelay $0x1  }
0x12a: {  	v3 =	vperm.xlane v3, v2;
	v4 =	vadd.s32 v1, v4;
	_ =	sdelay $0x1  }
0x12b: {  	v3 =	vadd.s32 v1, v3;
	_ =	sdelay $0x2  }
0x12c: {  	[tilespmem:s22], [sflag:$0x1] =	stream.indirect_vreg.gather [hbm4b:s3+s2], $0x80, v4, vm0, $0xb8;
	[tilespmem:$0x10100] =	vst v63  }
0x12d: {  	_ = 	snop  }
0x12e: {  	[tilespmem:s23], [sflag:$0x1] =	stream.indirect_vreg.gather [hbm4b:s3+s2], $0x80, v3, vm0, $0xb8;
	[tilespmem:$0x10100] =	vst v63  }
0x12f: {  	v3 =	vld [tilespmem:$0x70];
	_ =	sdelay $0x4  }
0x130: {  	v63 =	vshll.u32 v3, $0x1  }
0x131: {  	v3 =	vand.u32 $0x7, v3;
	v4 =	vand.u32 $0xFFFFFFF0, v63  }
0x132: {  	v3 =	vor.u32 v3, v4  }
0x133: {  	v4 =	vperm.xlane v3, v0;
	_ =	sdelay $0x1  }
0x134: {  	v3 =	vperm.xlane v3, v2;
	v4 =	vadd.s32 v1, v4;
	_ =	sdelay $0x1  }
0x135: {  	v3 =	vadd.s32 v1, v3;
	_ =	sdelay $0x2  }
0x136: {  	[tilespmem:s24], [sflag:$0x1] =	stream.indirect_vreg.gather [hbm4b:s3+s2], $0x80, v4, vm0, $0xb8;
	[tilespmem:$0x10100] =	vst v63  }
0x137: {  	_ = 	snop  }
0x138: {  	[tilespmem:s25], [sflag:$0x1] =	stream.indirect_vreg.gather [hbm4b:s3+s2], $0x80, v3, vm0, $0xb8;
	[tilespmem:$0x10100] =	vst v63  }
0x139: {  	_ =	swait.ge [sflag:s29], $0x8000  }
0x13a: {  	p1 =	por p0, p0;
	s1 =	sshll.u32 s1, $0x5;
	[sflag:s29] =	ssyncset.done $0x0  }
.Ltmp1:
0x13b: {  	s1 =	sadd.s32 s5, s1;
	[sflag:s29] =	ssyncadd.s32 $0xFFFF8000;
	(pc) =	sbr.rel @p1 .LBB2_4-.Ltmp1, $4  }
0x13c: {  	[hbm4b:s1+s2] =	stream.linear.scatter [tilespmem:s10], [sflag:$0x5], $0x8000, $0x38;
	[tilespmem:$0x10100] =	vst v63  }
0x13d: {  	_ =	swait.ge [sflag:s9], $0x8000  }
0x13e: {  	[sflag:s9] =	ssyncset.done $0x0  }
0x13f: {  	s7 =	simm.s32 $0x80;
	p0 =	por $0x0, $0x0;
	[sflag:s9] =	ssyncadd.s32 $0xFFFF8000  }
0x140: {  	s4 =	rddreg [dreg:$0x16]  }
0x141: {  	s1 =	rddreg [dreg:$0x14];
	s4 =	sadd.s32 $0x1, s4  }
0x142: {  	p0 =	sne.s32 s4, s1  }
.Ltmp2:
0x143: {  	_ = 	snop;
	(pc) =	sbr.rel @p0 .LBB2_1-.Ltmp2, $1  }
0x144: {  	_ =	sdelay $0x3  }
0x145: {  	_ =	sfence.sel $0x180000  }
0x146: {  	[bflag:$0x0] =	sbarrier.arrive $0xFFFF  }
0x147: {  	_ =	strace $0x90000047  }
0x148: {  	s0 =	stileid.u32;
	[bflag:$0x2] =	sbarrier.arrive $0xFFFF  }
0x149: {  	p0 =	sne.s32 s0, $0x0;
	s0 =	rddreg [dreg:$0x1]  }
0x14a: {  	s0 =	sadd.s32 @!p0 $0x100000, s0  }
0x14b: {  	[sflag:s0] =	ssyncadd.tile.s32 @!p0 $0x1;
	_ =	shalt  }
.Lfunc_end2:
_tile_overlayer_lowered:
.L_overlay_start_2:
0x14c: {  	(tag) =	ssettag $0x2  }
0x14d: {  	s0 =	rddreg [dreg:$0x0];
	s2 =	stileid.u32  }
0x14e: {  	s1 =	rddreg [dreg:$0x1];
	p0 =	sne.s32 s2, $0x0  }
0x14f: {  	s3 =	rddreg [dreg:$0x2];
	[bflag:$0x3] =	sbarrier.arrive $0xFFFF;
	s2 =	simm.s32 @!p0 $0x1C05  }
0x150: {  	[timem:s3], [sflag:s2] =	dma.local @!p0 [hbm:s0], s1  }
0x151: {  	s0 =	simm.s32 @!p0 $0x5  }
0x152: {  	_ =	swait.ge @!p0 [sflag:s0], s1  }
0x153: {  	s1 =	ssub.s32 @!p0 $0x0, s1;
	[sflag:s0] =	ssyncset.done @!p0 $0x0  }
0x154: {  	[sflag:s0] =	ssyncadd.s32 @!p0 s1  }
0x155: {  	[bflag:$0x3] =	sbarrier.arrive $0xFFFF  }
0x156: {  	_ =	shalt  }

</sc_bundles>
